<compile_context>
chip_gen: v7x
topology: tpu7x:2x2x1
jax: 0.10.2.dev20260603
libtpu: 0.0.44.dev20260713+nightly
codegen_flags: <defaults>
</compile_context>

<pallas_src>
import functools

import jax
import jax.numpy as jnp
from jax import lax
from jax.experimental import pallas as pl
from jax.experimental.pallas import tpu as pltpu
from jax.experimental.pallas import tpu_sc as plsc

N_ROWS = 1048576
ROW_W = 16
N_BINS_OUT = 10
BIN_SIZE = N_ROWS // N_BINS_OUT

NC, NS, LANES = 2, 16, 16
NW = NC * NS
SHARD = N_ROWS // NW

K1 = 1024
K2 = 64
NB = N_BINS_OUT - 1


def _umean_body(u_ref, u_out):
    u_out[...] = jnp.sum(u_ref[...], axis=0) * (1.0 / ROW_W)


def _emean_body(p_ref, t_ref, e_out):
    e_out[...] = jnp.sum(jnp.abs(p_ref[...] - t_ref[...]), axis=0) * (1.0 / ROW_W)


def _u_means(uncertainty, block_cols=131072):
    grid = (N_ROWS // block_cols,)
    in_spec = pl.BlockSpec((ROW_W, block_cols), lambda i: (0, i))
    out_spec = pl.BlockSpec((block_cols,), lambda i: (i,))
    return pl.pallas_call(
        _umean_body,
        grid=grid,
        in_specs=[in_spec],
        out_specs=out_spec,
        out_shape=jax.ShapeDtypeStruct((N_ROWS,), jnp.float32),
        compiler_params=pltpu.CompilerParams(
            dimension_semantics=("arbitrary",),
            vmem_limit_bytes=100 * 1024 * 1024),
    )(jnp.transpose(uncertainty))


def _e_means(predictions, target, block_cols=131072):
    grid = (N_ROWS // block_cols,)
    in_spec = pl.BlockSpec((ROW_W, block_cols), lambda i: (0, i))
    out_spec = pl.BlockSpec((block_cols,), lambda i: (i,))
    return pl.pallas_call(
        _emean_body,
        grid=grid,
        in_specs=[in_spec, in_spec],
        out_specs=out_spec,
        out_shape=jax.ShapeDtypeStruct((N_ROWS,), jnp.float32),
        compiler_params=pltpu.CompilerParams(
            dimension_semantics=("arbitrary",),
            vmem_limit_bytes=100 * 1024 * 1024),
    )(jnp.transpose(predictions), jnp.transpose(target))


def _mesh():
    return plsc.VectorSubcoreMesh(core_axis_name="c", subcore_axis_name="s",
                                  num_cores=NC, num_subcores=NS)


def _hist_l1_body(u_hbm, out_hbm, u_v, cnt_v):
    wid = lax.axis_index("s") * NC + lax.axis_index("c")
    base = wid * SHARD
    pltpu.sync_copy(u_hbm.at[pl.ds(base, SHARD)], u_v)

    zeros = jnp.zeros((LANES,), jnp.float32)

    def zero_step(i, _):
        cnt_v[pl.ds(i * LANES, LANES)] = zeros
        return 0

    lax.fori_loop(0, K1, zero_step, 0, unroll=8)

    lane = lax.iota(jnp.int32, LANES)
    ones = jnp.ones((LANES,), jnp.float32)

    def step(c, _):
        uv = u_v[pl.ds(c * LANES, LANES)]
        b = jnp.clip((uv * K1).astype(jnp.int32), 0, K1 - 1)
        fi = b * LANES + lane
        plsc.addupdate_scatter(cnt_v, [fi], ones)
        return 0

    lax.fori_loop(0, SHARD // LANES, step, 0, unroll=8)

    pltpu.sync_copy(cnt_v, out_hbm.at[wid])


def _hist_l1(u):
    kfun = pl.kernel(
        _hist_l1_body,
        out_type=jax.ShapeDtypeStruct((NW, K1 * LANES), jnp.float32),
        mesh=_mesh(),
        compiler_params=pltpu.CompilerParams(needs_layout_passes=False),
        scratch_types=[
            pltpu.VMEM((SHARD,), jnp.float32),
            pltpu.VMEM((K1 * LANES,), jnp.float32),
        ],
    )
    return kfun(u)


def _hist_l2_body(u_hbm, e_hbm, match_hbm, se1_hbm, out_hbm,
                  u_v, e_v, match_v, se1_v, cnt_v, se_v):
    wid = lax.axis_index("s") * NC + lax.axis_index("c")
    base = wid * SHARD
    pltpu.sync_copy(u_hbm.at[pl.ds(base, SHARD)], u_v)
    pltpu.sync_copy(e_hbm.at[pl.ds(base, SHARD)], e_v)
    pltpu.sync_copy(match_hbm, match_v)

    zeros = jnp.zeros((LANES,), jnp.float32)

    def zero_step(i, _):
        cnt_v[pl.ds(i * LANES, LANES)] = zeros
        se_v[pl.ds(i * LANES, LANES)] = zeros
        return 0

    lax.fori_loop(0, NB * K2, zero_step, 0, unroll=8)

    def zero1_step(i, _):
        se1_v[pl.ds(i * LANES, LANES)] = zeros
        return 0

    lax.fori_loop(0, K1, zero1_step, 0, unroll=8)

    lane = lax.iota(jnp.int32, LANES)
    ones = jnp.ones((LANES,), jnp.float32)

    def step(c, _):
        uv = u_v[pl.ds(c * LANES, LANES)]
        ev = e_v[pl.ds(c * LANES, LANES)]
        scaled = uv * K1
        b = jnp.clip(scaled.astype(jnp.int32), 0, K1 - 1)
        bf = b.astype(jnp.float32)
        plsc.addupdate_scatter(se1_v, [b * LANES + lane], ev)
        m = plsc.load_gather(match_v, [b])
        msk = m >= 0
        sub = jnp.clip(((scaled - bf) * K2).astype(jnp.int32), 0, K2 - 1)
        row = jnp.where(msk, m * K2 + sub, 0)
        fi = row * LANES + lane
        plsc.addupdate_scatter(cnt_v, [fi], ones, mask=msk)
        plsc.addupdate_scatter(se_v, [fi], ev, mask=msk)
        return 0

    lax.fori_loop(0, SHARD // LANES, step, 0, unroll=8)

    pltpu.sync_copy(cnt_v, out_hbm.at[0, wid])
    pltpu.sync_copy(se_v, out_hbm.at[1, wid])
    pltpu.sync_copy(se1_v, se1_hbm.at[wid])


def _hist_l2(u, e, match):
    kfun = pl.kernel(
        _hist_l2_body,
        out_type=(jax.ShapeDtypeStruct((NW, K1 * LANES), jnp.float32),
                  jax.ShapeDtypeStruct((2, NW, NB * K2 * LANES), jnp.float32)),
        mesh=_mesh(),
        compiler_params=pltpu.CompilerParams(needs_layout_passes=False),
        scratch_types=[
            pltpu.VMEM((SHARD,), jnp.float32),
            pltpu.VMEM((SHARD,), jnp.float32),
            pltpu.VMEM((K1,), jnp.int32),
            pltpu.VMEM((K1 * LANES,), jnp.float32),
            pltpu.VMEM((NB * K2 * LANES,), jnp.float32),
            pltpu.VMEM((NB * K2 * LANES,), jnp.float32),
        ],
    )
    return kfun(u, e, match)


def kernel(predictions, target, uncertainty):
    u = _u_means(uncertainty)
    cnt1_parts = _hist_l1(u)
    e = _e_means(predictions, target)

    ranks = jnp.arange(1, N_BINS_OUT, dtype=jnp.float32) * BIN_SIZE

    cnt1 = cnt1_parts.reshape(NW, K1, LANES).sum(axis=(0, 2))
    centers1 = (jnp.arange(K1, dtype=jnp.float32) + 0.5) * (1.0 / K1)
    su1 = cnt1 * centers1
    ccum1 = jnp.cumsum(cnt1)
    sucum1 = jnp.cumsum(su1)
    su_tot = sucum1[-1]

    bsel = jnp.sum((ccum1[None, :] < ranks[:, None]).astype(jnp.int32), axis=1)
    bsel = jnp.minimum(bsel, K1 - 1)
    cnt_less1 = ccum1[bsel] - cnt1[bsel]
    su_less1 = sucum1[bsel] - su1[bsel]

    ks = jnp.arange(NB, dtype=jnp.int32)
    src = jnp.max(jnp.where(bsel[None, :] == bsel[:, None],
                            ks[None, :], -1), axis=1)
    match = jnp.full((K1,), -1, jnp.int32).at[bsel].set(ks)

    se1_parts, l2_parts = _hist_l2(u, e, match)
    se1 = se1_parts.reshape(NW, K1, LANES).sum(axis=(0, 2))
    secum1 = jnp.cumsum(se1)
    se_tot = secum1[-1]
    se_less1 = secum1[bsel] - se1[bsel]

    l2 = l2_parts.reshape(2, NW, NB, K2, LANES).sum(axis=(1, 4))
    cnt2 = l2[0][src]
    se2 = l2[1][src]
    centers2 = (bsel.astype(jnp.float32)[:, None]
                + (jnp.arange(K2, dtype=jnp.float32)[None, :] + 0.5)
                * (1.0 / K2)) * (1.0 / K1)
    su2 = cnt2 * centers2
    ccum2 = jnp.cumsum(cnt2, axis=1)
    secum2 = jnp.cumsum(se2, axis=1)
    sucum2 = jnp.cumsum(su2, axis=1)

    n_rem = ranks - cnt_less1
    ssel = jnp.sum((ccum2 < n_rem[:, None]).astype(jnp.int32), axis=1)
    ssel = jnp.minimum(ssel, K2 - 1)
    take9 = jnp.take_along_axis
    g_cnt = take9(cnt2, ssel[:, None], axis=1)[:, 0]
    g_se = take9(se2, ssel[:, None], axis=1)[:, 0]
    g_su = take9(su2, ssel[:, None], axis=1)[:, 0]
    cnt_less2 = take9(ccum2, ssel[:, None], axis=1)[:, 0] - g_cnt
    se_less2 = take9(secum2, ssel[:, None], axis=1)[:, 0] - g_se
    su_less2 = take9(sucum2, ssel[:, None], axis=1)[:, 0] - g_su

    n_take = n_rem - cnt_less2
    frac = n_take / jnp.maximum(g_cnt, 1.0)
    pre_se = se_less1 + se_less2 + frac * g_se
    pre_su = su_less1 + su_less2 + frac * g_su

    pre_se = jnp.concatenate([jnp.zeros((1,)), pre_se, se_tot[None]])
    pre_su = jnp.concatenate([jnp.zeros((1,)), pre_su, su_tot[None]])
    bin_se = jnp.diff(pre_se)
    bin_su = jnp.diff(pre_su)
    sizes = jnp.full((N_BINS_OUT,), BIN_SIZE, jnp.float32).at[-1].set(
        N_ROWS - (N_BINS_OUT - 1) * BIN_SIZE)
    cal = jnp.mean(jnp.abs(bin_se / sizes - bin_su / sizes))
    return (0.1 * cal).astype(jnp.float32)

# --- scband reference (transcript-rebuilt; emitter-appended) ---
"""Pipeline reference for scband-calibration-loss-73864847557222 (READ-ONLY COPY).

The authoritative reference and input builder live on the scoring server;
editing this copy changes nothing except your own understanding.
"""

import jax, jax.numpy as jnp
import numpy as np

NUM_BINS = 10
LOSS_WEIGHT = 0.1
TEMPERATURE = 1.0


def setup_inputs(seed: int = 0) -> dict:
    key = jax.random.key(seed)
    k1, k2, k3 = jax.random.split(key, 3)
    predictions = jax.random.normal(k1, (1048576, 16), dtype=jnp.float32)
    target = jax.random.normal(k2, (1048576, 16), dtype=jnp.float32)
    uncertainty = jax.random.uniform(k3, (1048576, 16), dtype=jnp.float32)
    return {"predictions": predictions, "target": target, "uncertainty": uncertainty}


def reference(predictions, target, uncertainty):
    errors = jnp.abs(predictions - target).mean(axis=1, keepdims=True)
    uncertainties = uncertainty.mean(axis=1, keepdims=True)
    errors = errors.reshape(-1)
    uncertainties = uncertainties.reshape(-1)
    sorted_indices = jnp.argsort(uncertainties)
    sorted_errors = jnp.take(errors, sorted_indices)
    sorted_uncertainties = jnp.take(uncertainties, sorted_indices)
    n = sorted_errors.shape[0]
    bin_size = n // NUM_BINS
    calibration_error = jnp.float32(0.0)
    for i in range(NUM_BINS):
        start_idx = i * bin_size
        end_idx = (i + 1) * bin_size if i < NUM_BINS - 1 else n
        if end_idx > start_idx:
            bin_errors = sorted_errors[start_idx:end_idx]
            bin_uncertainties = sorted_uncertainties[start_idx:end_idx]
            bin_mean_error = bin_errors.mean()
            bin_mean_uncertainty = bin_uncertainties.mean()
            calibration_error = calibration_error + jnp.abs(bin_mean_error - bin_mean_uncertainty * TEMPERATURE)
    calibration_error = calibration_error / NUM_BINS
    return LOSS_WEIGHT * calibration_error

if __name__ == "__main__":
    import jax
    _d = setup_inputs()
    print(jax.jit(kernel)(*tuple(_d.values())))

</pallas_src>

<mosaic_0001>
#map = affine_map<(d0, d1) -> (0)>
#map1 = affine_map<(d0, d1) -> (0, 0)>
#map2 = affine_map<(d0, d1) -> (0, 0, 0)>
module attributes {stable_mosaic.version = 14 : i64} {
  func.func @_hist_l2_body(%arg0: i32, %arg1: i32, %arg2: memref<1048576xf32, #tpu.memory_space<hbm>>, %arg3: memref<1048576xf32, #tpu.memory_space<hbm>>, %arg4: memref<1024xi32, #tpu.memory_space<hbm>>, %arg5: memref<32x16384xf32, #tpu.memory_space<hbm>>, %arg6: memref<2x32x9216xf32, #tpu.memory_space<hbm>>, %arg7: memref<32768xf32, #tpu.memory_space<vmem>>, %arg8: memref<32768xf32, #tpu.memory_space<vmem>>, %arg9: memref<1024xi32, #tpu.memory_space<vmem>>, %arg10: memref<16384xf32, #tpu.memory_space<vmem>>, %arg11: memref<9216xf32, #tpu.memory_space<vmem>>, %arg12: memref<9216xf32, #tpu.memory_space<vmem>>) attributes {dimension_semantics = [#tpu.dimension_semantics<core_parallel>, #tpu.dimension_semantics<subcore_parallel>], iteration_bounds = array<i64: 2, 16>, scalar_prefetch = 0 : i64, scratch_operands = 6 : i64, tpu.core_type = #tpu.core_type<sc_vector_subcore>, window_params = [{transform_indices = #map}, {transform_indices = #map}, {transform_indices = #map}, {transform_indices = #map1}, {transform_indices = #map2}]} {
    %mul3A = arith.constant 2 : i32
    %mul3A_0 = arith.muli %arg1, %mul3A : i32
    %add3A = arith.addi %mul3A_0, %arg0 : i32
    %mul3A_1 = arith.constant 32768 : i32
    %mul3A_2 = arith.muli %add3A, %mul3A_1 : i32
    "tpu.region"() ({
      %run_scoped3A_27 = tpu.sem_alloc : memref<!tpu.dma_semaphore, #tpu.memory_space<semaphore_mem>>
      %dma_start3A = tpu.memref_slice %arg2[%mul3A_2] : memref<1048576xf32, #tpu.memory_space<hbm>> -> memref<32768xf32, #tpu.memory_space<hbm>>
      %dma_start3A_28 = tpu.memref_slice %arg2[%mul3A_2] : memref<1048576xf32, #tpu.memory_space<hbm>> -> memref<32768xf32, #tpu.memory_space<hbm>>
      tpu.enqueue_dma source(%dma_start3A_28 : memref<32768xf32, #tpu.memory_space<hbm>>) target(%arg7 : memref<32768xf32, #tpu.memory_space<vmem>>) target_semaphore(%run_scoped3A_27 : memref<!tpu.dma_semaphore, #tpu.memory_space<semaphore_mem>>)
      %dma_wait3A = tpu.memref_slice %arg2[%mul3A_2] : memref<1048576xf32, #tpu.memory_space<hbm>> -> memref<32768xf32, #tpu.memory_space<hbm>>
      %dma_wait3A_29 = tpu.memref_slice %arg2[%mul3A_2] : memref<1048576xf32, #tpu.memory_space<hbm>> -> memref<32768xf32, #tpu.memory_space<hbm>>
      tpu.wait_dma2 semaphore(%run_scoped3A_27 : memref<!tpu.dma_semaphore, #tpu.memory_space<semaphore_mem>>) src(%dma_wait3A_29 : memref<32768xf32, #tpu.memory_space<hbm>>) dst(%arg7 : memref<32768xf32, #tpu.memory_space<vmem>>)
      tpu.yield
    }) : () -> ()
    "tpu.region"() ({
      %run_scoped3A_27 = tpu.sem_alloc : memref<!tpu.dma_semaphore, #tpu.memory_space<semaphore_mem>>
      %dma_start3A = tpu.memref_slice %arg3[%mul3A_2] : memref<1048576xf32, #tpu.memory_space<hbm>> -> memref<32768xf32, #tpu.memory_space<hbm>>
      %dma_start3A_28 = tpu.memref_slice %arg3[%mul3A_2] : memref<1048576xf32, #tpu.memory_space<hbm>> -> memref<32768xf32, #tpu.memory_space<hbm>>
      tpu.enqueue_dma source(%dma_start3A_28 : memref<32768xf32, #tpu.memory_space<hbm>>) target(%arg8 : memref<32768xf32, #tpu.memory_space<vmem>>) target_semaphore(%run_scoped3A_27 : memref<!tpu.dma_semaphore, #tpu.memory_space<semaphore_mem>>)
      %dma_wait3A = tpu.memref_slice %arg3[%mul3A_2] : memref<1048576xf32, #tpu.memory_space<hbm>> -> memref<32768xf32, #tpu.memory_space<hbm>>
      %dma_wait3A_29 = tpu.memref_slice %arg3[%mul3A_2] : memref<1048576xf32, #tpu.memory_space<hbm>> -> memref<32768xf32, #tpu.memory_space<hbm>>
      tpu.wait_dma2 semaphore(%run_scoped3A_27 : memref<!tpu.dma_semaphore, #tpu.memory_space<semaphore_mem>>) src(%dma_wait3A_29 : memref<32768xf32, #tpu.memory_space<hbm>>) dst(%arg8 : memref<32768xf32, #tpu.memory_space<vmem>>)
      tpu.yield
    }) : () -> ()
    "tpu.region"() ({
      %run_scoped3A_27 = tpu.sem_alloc : memref<!tpu.dma_semaphore, #tpu.memory_space<semaphore_mem>>
      tpu.enqueue_dma source(%arg4 : memref<1024xi32, #tpu.memory_space<hbm>>) target(%arg9 : memref<1024xi32, #tpu.memory_space<vmem>>) target_semaphore(%run_scoped3A_27 : memref<!tpu.dma_semaphore, #tpu.memory_space<semaphore_mem>>)
      tpu.wait_dma2 semaphore(%run_scoped3A_27 : memref<!tpu.dma_semaphore, #tpu.memory_space<semaphore_mem>>) src(%arg4 : memref<1024xi32, #tpu.memory_space<hbm>>) dst(%arg9 : memref<1024xi32, #tpu.memory_space<vmem>>)
      tpu.yield
    }) : () -> ()
    %broadcast_in_dim3A = arith.constant 0.000000e+00 : f32
    %broadcast_in_dim3A_3 = vector.broadcast %broadcast_in_dim3A : f32 to vector<16xf32>
    %scan3A = arith.constant 0 : i32
    %scan3A_4 = arith.constant 0 : i32
    %scan3A_5 = arith.constant 576 : i32
    %scan3A_6 = arith.addi %scan3A_4, %scan3A_5 : i32
    %scan3A_7 = arith.constant 8 : i32
    %scan3A_8 = scf.for %scan3A_27 = %scan3A_4 to %scan3A_6 step %scan3A_7 iter_args(%scan3A_28 = %scan3A) -> (i32)  : i32 {
      %mul3A_29 = arith.constant 16 : i32
      %mul3A_30 = arith.muli %scan3A_27, %mul3A_29 : i32
      %swap3A = arith.index_cast %mul3A_30 : i32 to index
      %swap3A_31 = tpu.vector_load %arg11[%swap3A] {strides = array<i32>} : memref<9216xf32, #tpu.memory_space<vmem>>, vector<16xf32>,
      tpu.vector_store %arg11[%swap3A], %broadcast_in_dim3A_3 {strides = array<i32>} : memref<9216xf32, #tpu.memory_space<vmem>>, vector<16xf32>,
      %mul3A_32 = arith.constant 16 : i32
      %mul3A_33 = arith.muli %scan3A_27, %mul3A_32 : i32
      %swap3A_34 = arith.index_cast %mul3A_33 : i32 to index
      %swap3A_35 = tpu.vector_load %arg12[%swap3A_34] {strides = array<i32>} : memref<9216xf32, #tpu.memory_space<vmem>>, vector<16xf32>,
      tpu.vector_store %arg12[%swap3A_34], %broadcast_in_dim3A_3 {strides = array<i32>} : memref<9216xf32, #tpu.memory_space<vmem>>, vector<16xf32>,
      %scan3A_36 = arith.constant 0 : i32
      %scan3A_37 = arith.constant 1 : i32
      %scan3A_38 = arith.addi %scan3A_27, %scan3A_37 : i32
      %mul3A_39 = arith.constant 16 : i32
      %mul3A_40 = arith.muli %scan3A_38, %mul3A_39 : i32
      %swap3A_41 = arith.index_cast %mul3A_40 : i32 to index
      %swap3A_42 = tpu.vector_load %arg11[%swap3A_41] {strides = array<i32>} : memref<9216xf32, #tpu.memory_space<vmem>>, vector<16xf32>,
      tpu.vector_store %arg11[%swap3A_41], %broadcast_in_dim3A_3 {strides = array<i32>} : memref<9216xf32, #tpu.memory_space<vmem>>, vector<16xf32>,
      %mul3A_43 = arith.constant 16 : i32
      %mul3A_44 = arith.muli %scan3A_38, %mul3A_43 : i32
      %swap3A_45 = arith.index_cast %mul3A_44 : i32 to index
      %swap3A_46 = tpu.vector_load %arg12[%swap3A_45] {strides = array<i32>} : memref<9216xf32, #tpu.memory_space<vmem>>, vector<16xf32>,
      tpu.vector_store %arg12[%swap3A_45], %broadcast_in_dim3A_3 {strides = array<i32>} : memref<9216xf32, #tpu.memory_space<vmem>>, vector<16xf32>,
      %scan3A_47 = arith.constant 0 : i32
      %scan3A_48 = arith.constant 2 : i32
      %scan3A_49 = arith.addi %scan3A_27, %scan3A_48 : i32
      %mul3A_50 = arith.constant 16 : i32
      %mul3A_51 = arith.muli %scan3A_49, %mul3A_50 : i32
      %swap3A_52 = arith.index_cast %mul3A_51 : i32 to index
      %swap3A_53 = tpu.vector_load %arg11[%swap3A_52] {strides = array<i32>} : memref<9216xf32, #tpu.memory_space<vmem>>, vector<16xf32>,
      tpu.vector_store %arg11[%swap3A_52], %broadcast_in_dim3A_3 {strides = array<i32>} : memref<9216xf32, #tpu.memory_space<vmem>>, vector<16xf32>,
      %mul3A_54 = arith.constant 16 : i32
      %mul3A_55 = arith.muli %scan3A_49, %mul3A_54 : i32
      %swap3A_56 = arith.index_cast %mul3A_55 : i32 to index
      %swap3A_57 = tpu.vector_load %arg12[%swap3A_56] {strides = array<i32>} : memref<9216xf32, #tpu.memory_space<vmem>>, vector<16xf32>,
      tpu.vector_store %arg12[%swap3A_56], %broadcast_in_dim3A_3 {strides = array<i32>} : memref<9216xf32, #tpu.memory_space<vmem>>, vector<16xf32>,
      %scan3A_58 = arith.constant 0 : i32
      %scan3A_59 = arith.constant 3 : i32
      %scan3A_60 = arith.addi %scan3A_27, %scan3A_59 : i32
      %mul3A_61 = arith.constant 16 : i32
      %mul3A_62 = arith.muli %scan3A_60, %mul3A_61 : i32
      %swap3A_63 = arith.index_cast %mul3A_62 : i32 to index
      %swap3A_64 = tpu.vector_load %arg11[%swap3A_63] {strides = array<i32>} : memref<9216xf32, #tpu.memory_space<vmem>>, vector<16xf32>,
      tpu.vector_store %arg11[%swap3A_63], %broadcast_in_dim3A_3 {strides = array<i32>} : memref<9216xf32, #tpu.memory_space<vmem>>, vector<16xf32>,
      %mul3A_65 = arith.constant 16 : i32
      %mul3A_66 = arith.muli %scan3A_60, %mul3A_65 : i32
      %swap3A_67 = arith.index_cast %mul3A_66 : i32 to index
      %swap3A_68 = tpu.vector_load %arg12[%swap3A_67] {strides = array<i32>} : memref<9216xf32, #tpu.memory_space<vmem>>, vector<16xf32>,
      tpu.vector_store %arg12[%swap3A_67], %broadcast_in_dim3A_3 {strides = array<i32>} : memref<9216xf32, #tpu.memory_space<vmem>>, vector<16xf32>,
      %scan3A_69 = arith.constant 0 : i32
      %scan3A_70 = arith.constant 4 : i32
      %scan3A_71 = arith.addi %scan3A_27, %scan3A_70 : i32
      %mul3A_72 = arith.constant 16 : i32
      %mul3A_73 = arith.muli %scan3A_71, %mul3A_72 : i32
      %swap3A_74 = arith.index_cast %mul3A_73 : i32 to index
      %swap3A_75 = tpu.vector_load %arg11[%swap3A_74] {strides = array<i32>} : memref<9216xf32, #tpu.memory_space<vmem>>, vector<16xf32>,
      tpu.vector_store %arg11[%swap3A_74], %broadcast_in_dim3A_3 {strides = array<i32>} : memref<9216xf32, #tpu.memory_space<vmem>>, vector<16xf32>,
      %mul3A_76 = arith.constant 16 : i32
      %mul3A_77 = arith.muli %scan3A_71, %mul3A_76 : i32
      %swap3A_78 = arith.index_cast %mul3A_77 : i32 to index
      %swap3A_79 = tpu.vector_load %arg12[%swap3A_78] {strides = array<i32>} : memref<9216xf32, #tpu.memory_space<vmem>>, vector<16xf32>,
      tpu.vector_store %arg12[%swap3A_78], %broadcast_in_dim3A_3 {strides = array<i32>} : memref<9216xf32, #tpu.memory_space<vmem>>, vector<16xf32>,
      %scan3A_80 = arith.constant 0 : i32
      %scan3A_81 = arith.constant 5 : i32
      %scan3A_82 = arith.addi %scan3A_27, %scan3A_81 : i32
      %mul3A_83 = arith.constant 16 : i32
      %mul3A_84 = arith.muli %scan3A_82, %mul3A_83 : i32
      %swap3A_85 = arith.index_cast %mul3A_84 : i32 to index
      %swap3A_86 = tpu.vector_load %arg11[%swap3A_85] {strides = array<i32>} : memref<9216xf32, #tpu.memory_space<vmem>>, vector<16xf32>,
      tpu.vector_store %arg11[%swap3A_85], %broadcast_in_dim3A_3 {strides = array<i32>} : memref<9216xf32, #tpu.memory_space<vmem>>, vector<16xf32>,
      %mul3A_87 = arith.constant 16 : i32
      %mul3A_88 = arith.muli %scan3A_82, %mul3A_87 : i32
      %swap3A_89 = arith.index_cast %mul3A_88 : i32 to index
      %swap3A_90 = tpu.vector_load %arg12[%swap3A_89] {strides = array<i32>} : memref<9216xf32, #tpu.memory_space<vmem>>, vector<16xf32>,
      tpu.vector_store %arg12[%swap3A_89], %broadcast_in_dim3A_3 {strides = array<i32>} : memref<9216xf32, #tpu.memory_space<vmem>>, vector<16xf32>,
      %scan3A_91 = arith.constant 0 : i32
      %scan3A_92 = arith.constant 6 : i32
      %scan3A_93 = arith.addi %scan3A_27, %scan3A_92 : i32
      %mul3A_94 = arith.constant 16 : i32
      %mul3A_95 = arith.muli %scan3A_93, %mul3A_94 : i32
      %swap3A_96 = arith.index_cast %mul3A_95 : i32 to index
      %swap3A_97 = tpu.vector_load %arg11[%swap3A_96] {strides = array<i32>} : memref<9216xf32, #tpu.memory_space<vmem>>, vector<16xf32>,
      tpu.vector_store %arg11[%swap3A_96], %broadcast_in_dim3A_3 {strides = array<i32>} : memref<9216xf32, #tpu.memory_space<vmem>>, vector<16xf32>,
      %mul3A_98 = arith.constant 16 : i32
      %mul3A_99 = arith.muli %scan3A_93, %mul3A_98 : i32
      %swap3A_100 = arith.index_cast %mul3A_99 : i32 to index
      %swap3A_101 = tpu.vector_load %arg12[%swap3A_100] {strides = array<i32>} : memref<9216xf32, #tpu.memory_space<vmem>>, vector<16xf32>,
      tpu.vector_store %arg12[%swap3A_100], %broadcast_in_dim3A_3 {strides = array<i32>} : memref<9216xf32, #tpu.memory_space<vmem>>, vector<16xf32>,
      %scan3A_102 = arith.constant 0 : i32
      %scan3A_103 = arith.constant 7 : i32
      %scan3A_104 = arith.addi %scan3A_27, %scan3A_103 : i32
      %mul3A_105 = arith.constant 16 : i32
      %mul3A_106 = arith.muli %scan3A_104, %mul3A_105 : i32
      %swap3A_107 = arith.index_cast %mul3A_106 : i32 to index
      %swap3A_108 = tpu.vector_load %arg11[%swap3A_107] {strides = array<i32>} : memref<9216xf32, #tpu.memory_space<vmem>>, vector<16xf32>,
      tpu.vector_store %arg11[%swap3A_107], %broadcast_in_dim3A_3 {strides = array<i32>} : memref<9216xf32, #tpu.memory_space<vmem>>, vector<16xf32>,
      %mul3A_109 = arith.constant 16 : i32
      %mul3A_110 = arith.muli %scan3A_104, %mul3A_109 : i32
      %swap3A_111 = arith.index_cast %mul3A_110 : i32 to index
      %swap3A_112 = tpu.vector_load %arg12[%swap3A_111] {strides = array<i32>} : memref<9216xf32, #tpu.memory_space<vmem>>, vector<16xf32>,
      tpu.vector_store %arg12[%swap3A_111], %broadcast_in_dim3A_3 {strides = array<i32>} : memref<9216xf32, #tpu.memory_space<vmem>>, vector<16xf32>,
      %scan3A_113 = arith.constant 0 : i32
      scf.yield %scan3A_113 : i32
    }
    %scan3A_9 = arith.constant 576 : i32
    %scan3A_10 = arith.constant 0 : i32
    %scan3A_11 = arith.constant 0 : i32
    %scan3A_12 = arith.constant 1024 : i32
    %scan3A_13 = arith.addi %scan3A_11, %scan3A_12 : i32
    %scan3A_14 = arith.constant 8 : i32
    %scan3A_15 = scf.for %scan3A_27 = %scan3A_11 to %scan3A_13 step %scan3A_14 iter_args(%scan3A_28 = %scan3A_10) -> (i32)  : i32 {
      %mul3A_29 = arith.constant 16 : i32
      %mul3A_30 = arith.muli %scan3A_27, %mul3A_29 : i32
      %swap3A = arith.index_cast %mul3A_30 : i32 to index
      %swap3A_31 = tpu.vector_load %arg10[%swap3A] {strides = array<i32>} : memref<16384xf32, #tpu.memory_space<vmem>>, vector<16xf32>,
      tpu.vector_store %arg10[%swap3A], %broadcast_in_dim3A_3 {strides = array<i32>} : memref<16384xf32, #tpu.memory_space<vmem>>, vector<16xf32>,
      %scan3A_32 = arith.constant 0 : i32
      %scan3A_33 = arith.constant 1 : i32
      %scan3A_34 = arith.addi %scan3A_27, %scan3A_33 : i32
      %mul3A_35 = arith.constant 16 : i32
      %mul3A_36 = arith.muli %scan3A_34, %mul3A_35 : i32
      %swap3A_37 = arith.index_cast %mul3A_36 : i32 to index
      %swap3A_38 = tpu.vector_load %arg10[%swap3A_37] {strides = array<i32>} : memref<16384xf32, #tpu.memory_space<vmem>>, vector<16xf32>,
      tpu.vector_store %arg10[%swap3A_37], %broadcast_in_dim3A_3 {strides = array<i32>} : memref<16384xf32, #tpu.memory_space<vmem>>, vector<16xf32>,
      %scan3A_39 = arith.constant 0 : i32
      %scan3A_40 = arith.constant 2 : i32
      %scan3A_41 = arith.addi %scan3A_27, %scan3A_40 : i32
      %mul3A_42 = arith.constant 16 : i32
      %mul3A_43 = arith.muli %scan3A_41, %mul3A_42 : i32
      %swap3A_44 = arith.index_cast %mul3A_43 : i32 to index
      %swap3A_45 = tpu.vector_load %arg10[%swap3A_44] {strides = array<i32>} : memref<16384xf32, #tpu.memory_space<vmem>>, vector<16xf32>,
      tpu.vector_store %arg10[%swap3A_44], %broadcast_in_dim3A_3 {strides = array<i32>} : memref<16384xf32, #tpu.memory_space<vmem>>, vector<16xf32>,
      %scan3A_46 = arith.constant 0 : i32
      %scan3A_47 = arith.constant 3 : i32
      %scan3A_48 = arith.addi %scan3A_27, %scan3A_47 : i32
      %mul3A_49 = arith.constant 16 : i32
      %mul3A_50 = arith.muli %scan3A_48, %mul3A_49 : i32
      %swap3A_51 = arith.index_cast %mul3A_50 : i32 to index
      %swap3A_52 = tpu.vector_load %arg10[%swap3A_51] {strides = array<i32>} : memref<16384xf32, #tpu.memory_space<vmem>>, vector<16xf32>,
      tpu.vector_store %arg10[%swap3A_51], %broadcast_in_dim3A_3 {strides = array<i32>} : memref<16384xf32, #tpu.memory_space<vmem>>, vector<16xf32>,
      %scan3A_53 = arith.constant 0 : i32
      %scan3A_54 = arith.constant 4 : i32
      %scan3A_55 = arith.addi %scan3A_27, %scan3A_54 : i32
      %mul3A_56 = arith.constant 16 : i32
      %mul3A_57 = arith.muli %scan3A_55, %mul3A_56 : i32
      %swap3A_58 = arith.index_cast %mul3A_57 : i32 to index
      %swap3A_59 = tpu.vector_load %arg10[%swap3A_58] {strides = array<i32>} : memref<16384xf32, #tpu.memory_space<vmem>>, vector<16xf32>,
      tpu.vector_store %arg10[%swap3A_58], %broadcast_in_dim3A_3 {strides = array<i32>} : memref<16384xf32, #tpu.memory_space<vmem>>, vector<16xf32>,
      %scan3A_60 = arith.constant 0 : i32
      %scan3A_61 = arith.constant 5 : i32
      %scan3A_62 = arith.addi %scan3A_27, %scan3A_61 : i32
      %mul3A_63 = arith.constant 16 : i32
      %mul3A_64 = arith.muli %scan3A_62, %mul3A_63 : i32
      %swap3A_65 = arith.index_cast %mul3A_64 : i32 to index
      %swap3A_66 = tpu.vector_load %arg10[%swap3A_65] {strides = array<i32>} : memref<16384xf32, #tpu.memory_space<vmem>>, vector<16xf32>,
      tpu.vector_store %arg10[%swap3A_65], %broadcast_in_dim3A_3 {strides = array<i32>} : memref<16384xf32, #tpu.memory_space<vmem>>, vector<16xf32>,
      %scan3A_67 = arith.constant 0 : i32
      %scan3A_68 = arith.constant 6 : i32
      %scan3A_69 = arith.addi %scan3A_27, %scan3A_68 : i32
      %mul3A_70 = arith.constant 16 : i32
      %mul3A_71 = arith.muli %scan3A_69, %mul3A_70 : i32
      %swap3A_72 = arith.index_cast %mul3A_71 : i32 to index
      %swap3A_73 = tpu.vector_load %arg10[%swap3A_72] {strides = array<i32>} : memref<16384xf32, #tpu.memory_space<vmem>>, vector<16xf32>,
      tpu.vector_store %arg10[%swap3A_72], %broadcast_in_dim3A_3 {strides = array<i32>} : memref<16384xf32, #tpu.memory_space<vmem>>, vector<16xf32>,
      %scan3A_74 = arith.constant 0 : i32
      %scan3A_75 = arith.constant 7 : i32
      %scan3A_76 = arith.addi %scan3A_27, %scan3A_75 : i32
      %mul3A_77 = arith.constant 16 : i32
      %mul3A_78 = arith.muli %scan3A_76, %mul3A_77 : i32
      %swap3A_79 = arith.index_cast %mul3A_78 : i32 to index
      %swap3A_80 = tpu.vector_load %arg10[%swap3A_79] {strides = array<i32>} : memref<16384xf32, #tpu.memory_space<vmem>>, vector<16xf32>,
      tpu.vector_store %arg10[%swap3A_79], %broadcast_in_dim3A_3 {strides = array<i32>} : memref<16384xf32, #tpu.memory_space<vmem>>, vector<16xf32>,
      %scan3A_81 = arith.constant 0 : i32
      scf.yield %scan3A_81 : i32
    }
    %scan3A_16 = arith.constant 1024 : i32
    %iota3A = tpu.iota {dimensions = array<i32: 0>} : vector<16xi32>
    %broadcast_in_dim3A_17 = arith.constant 1.000000e+00 : f32
    %broadcast_in_dim3A_18 = vector.broadcast %broadcast_in_dim3A_17 : f32 to vector<16xf32>
    %scan3A_19 = arith.constant 0 : i32
    %scan3A_20 = arith.constant 0 : i32
    %scan3A_21 = arith.constant 2048 : i32
    %scan3A_22 = arith.addi %scan3A_20, %scan3A_21 : i32
    %scan3A_23 = arith.constant 8 : i32
    %scan3A_24 = scf.for %scan3A_27 = %scan3A_20 to %scan3A_22 step %scan3A_23 iter_args(%scan3A_28 = %scan3A_19) -> (i32)  : i32 {
      %mul3A_29 = arith.constant 16 : i32
      %mul3A_30 = arith.muli %scan3A_27, %mul3A_29 : i32
      %get3A = arith.index_cast %mul3A_30 : i32 to index
      %get3A_31 = tpu.vector_load %arg7[%get3A] {strides = array<i32>} : memref<32768xf32, #tpu.memory_space<vmem>>, vector<16xf32>,
      %mul3A_32 = arith.constant 16 : i32
      %mul3A_33 = arith.muli %scan3A_27, %mul3A_32 : i32
      %get3A_34 = arith.index_cast %mul3A_33 : i32 to index
      %get3A_35 = tpu.vector_load %arg8[%get3A_34] {strides = array<i32>} : memref<32768xf32, #tpu.memory_space<vmem>>, vector<16xf32>,
      %mul3A_36 = arith.constant 1.024000e+03 : f32
      %mul3A_37 = vector.broadcast %mul3A_36 : f32 to vector<16xf32>
      %mul3A_38 = arith.mulf %get3A_31, %mul3A_37 : vector<16xf32>
      %convert_element_type3A = arith.fptosi %mul3A_38 : vector<16xf32> to vector<16xi32>
      %jit3A = arith.constant 0 : i32
      %jit3A_39 = arith.constant 1023 : i32
      %max3A = vector.broadcast %jit3A : i32 to vector<16xi32>
      %max3A_40 = arith.maxsi %max3A, %convert_element_type3A : vector<16xi32>
      %min3A = vector.broadcast %jit3A_39 : i32 to vector<16xi32>
      %min3A_41 = arith.minsi %min3A, %max3A_40 : vector<16xi32>
      %convert_element_type3A_42 = arith.sitofp %min3A_41 : vector<16xi32> to vector<16xf32>
      %mul3A_43 = arith.constant 16 : i32
      %mul3A_44 = vector.broadcast %mul3A_43 : i32 to vector<16xi32>
      %mul3A_45 = arith.muli %min3A_41, %mul3A_44 : vector<16xi32>
      %add3A_46 = arith.addi %mul3A_45, %iota3A : vector<16xi32>
      tpu.vector_store_idx %arg10[%add3A_46], %get3A_35 {add = true} : memref<16384xf32, #tpu.memory_space<vmem>>[vector<16xi32>], vector<16xf32>,
      %gather3A = tpu.vector_load_idx %arg9[%min3A_41] : memref<1024xi32, #tpu.memory_space<vmem>>[vector<16xi32>], vector<16xi32>,
      %ge3A = arith.constant 0 : i32
      %ge3A_47 = vector.broadcast %ge3A : i32 to vector<16xi32>
      %ge3A_48 = arith.cmpi sge, %gather3A, %ge3A_47 : vector<16xi32>
      %sub3A = arith.subf %mul3A_38, %convert_element_type3A_42 : vector<16xf32>
      %mul3A_49 = arith.constant 6.400000e+01 : f32
      %mul3A_50 = vector.broadcast %mul3A_49 : f32 to vector<16xf32>
      %mul3A_51 = arith.mulf %sub3A, %mul3A_50 : vector<16xf32>
      %convert_element_type3A_52 = arith.fptosi %mul3A_51 : vector<16xf32> to vector<16xi32>
      %jit3A_53 = arith.constant 0 : i32
      %jit3A_54 = arith.constant 63 : i32
      %max3A_55 = vector.broadcast %jit3A_53 : i32 to vector<16xi32>
      %max3A_56 = arith.maxsi %max3A_55, %convert_element_type3A_52 : vector<16xi32>
      %min3A_57 = vector.broadcast %jit3A_54 : i32 to vector<16xi32>
      %min3A_58 = arith.minsi %min3A_57, %max3A_56 : vector<16xi32>
      %mul3A_59 = arith.constant 64 : i32
      %mul3A_60 = vector.broadcast %mul3A_59 : i32 to vector<16xi32>
      %mul3A_61 = arith.muli %gather3A, %mul3A_60 : vector<16xi32>
      %add3A_62 = arith.addi %mul3A_61, %min3A_58 : vector<16xi32>
      %jit3A_63 = arith.constant 0 : i32
      %broadcast_in_dim3A_64 = vector.broadcast %jit3A_63 : i32 to vector<16xi32>
      %select_n3A = arith.select %ge3A_48, %add3A_62, %broadcast_in_dim3A_64 : vector<16xi1>, vector<16xi32>
      %mul3A_65 = arith.constant 16 : i32
      %mul3A_66 = vector.broadcast %mul3A_65 : i32 to vector<16xi32>
      %mul3A_67 = arith.muli %select_n3A, %mul3A_66 : vector<16xi32>
      %add3A_68 = arith.addi %mul3A_67, %iota3A : vector<16xi32>
      tpu.vector_store_idx %arg11[%add3A_68], %broadcast_in_dim3A_18 masked %ge3A_48 {add = true} : memref<9216xf32, #tpu.memory_space<vmem>>[vector<16xi32>], vector<16xf32>, vector<16xi1>
      tpu.vector_store_idx %arg12[%add3A_68], %get3A_35 masked %ge3A_48 {add = true} : memref<9216xf32, #tpu.memory_space<vmem>>[vector<16xi32>], vector<16xf32>, vector<16xi1>
      %scan3A_69 = arith.constant 0 : i32
      %scan3A_70 = arith.constant 1 : i32
      %scan3A_71 = arith.addi %scan3A_27, %scan3A_70 : i32
      %mul3A_72 = arith.constant 16 : i32
      %mul3A_73 = arith.muli %scan3A_71, %mul3A_72 : i32
      %get3A_74 = arith.index_cast %mul3A_73 : i32 to index
      %get3A_75 = tpu.vector_load %arg7[%get3A_74] {strides = array<i32>} : memref<32768xf32, #tpu.memory_space<vmem>>, vector<16xf32>,
      %mul3A_76 = arith.constant 16 : i32
      %mul3A_77 = arith.muli %scan3A_71, %mul3A_76 : i32
      %get3A_78 = arith.index_cast %mul3A_77 : i32 to index
      %get3A_79 = tpu.vector_load %arg8[%get3A_78] {strides = array<i32>} : memref<32768xf32, #tpu.memory_space<vmem>>, vector<16xf32>,
      %mul3A_80 = arith.constant 1.024000e+03 : f32
      %mul3A_81 = vector.broadcast %mul3A_80 : f32 to vector<16xf32>
      %mul3A_82 = arith.mulf %get3A_75, %mul3A_81 : vector<16xf32>
      %convert_element_type3A_83 = arith.fptosi %mul3A_82 : vector<16xf32> to vector<16xi32>
      %jit3A_84 = arith.constant 0 : i32
      %jit3A_85 = arith.constant 1023 : i32
      %max3A_86 = vector.broadcast %jit3A_84 : i32 to vector<16xi32>
      %max3A_87 = arith.maxsi %max3A_86, %convert_element_type3A_83 : vector<16xi32>
      %min3A_88 = vector.broadcast %jit3A_85 : i32 to vector<16xi32>
      %min3A_89 = arith.minsi %min3A_88, %max3A_87 : vector<16xi32>
      %convert_element_type3A_90 = arith.sitofp %min3A_89 : vector<16xi32> to vector<16xf32>
      %mul3A_91 = arith.constant 16 : i32
      %mul3A_92 = vector.broadcast %mul3A_91 : i32 to vector<16xi32>
      %mul3A_93 = arith.muli %min3A_89, %mul3A_92 : vector<16xi32>
      %add3A_94 = arith.addi %mul3A_93, %iota3A : vector<16xi32>
      tpu.vector_store_idx %arg10[%add3A_94], %get3A_79 {add = true} : memref<16384xf32, #tpu.memory_space<vmem>>[vector<16xi32>], vector<16xf32>,
      %gather3A_95 = tpu.vector_load_idx %arg9[%min3A_89] : memref<1024xi32, #tpu.memory_space<vmem>>[vector<16xi32>], vector<16xi32>,
      %ge3A_96 = arith.constant 0 : i32
      %ge3A_97 = vector.broadcast %ge3A_96 : i32 to vector<16xi32>
      %ge3A_98 = arith.cmpi sge, %gather3A_95, %ge3A_97 : vector<16xi32>
      %sub3A_99 = arith.subf %mul3A_82, %convert_element_type3A_90 : vector<16xf32>
      %mul3A_100 = arith.constant 6.400000e+01 : f32
      %mul3A_101 = vector.broadcast %mul3A_100 : f32 to vector<16xf32>
      %mul3A_102 = arith.mulf %sub3A_99, %mul3A_101 : vector<16xf32>
      %convert_element_type3A_103 = arith.fptosi %mul3A_102 : vector<16xf32> to vector<16xi32>
      %jit3A_104 = arith.constant 0 : i32
      %jit3A_105 = arith.constant 63 : i32
      %max3A_106 = vector.broadcast %jit3A_104 : i32 to vector<16xi32>
      %max3A_107 = arith.maxsi %max3A_106, %convert_element_type3A_103 : vector<16xi32>
      %min3A_108 = vector.broadcast %jit3A_105 : i32 to vector<16xi32>
      %min3A_109 = arith.minsi %min3A_108, %max3A_107 : vector<16xi32>
      %mul3A_110 = arith.constant 64 : i32
      %mul3A_111 = vector.broadcast %mul3A_110 : i32 to vector<16xi32>
      %mul3A_112 = arith.muli %gather3A_95, %mul3A_111 : vector<16xi32>
      %add3A_113 = arith.addi %mul3A_112, %min3A_109 : vector<16xi32>
      %jit3A_114 = arith.constant 0 : i32
      %broadcast_in_dim3A_115 = vector.broadcast %jit3A_114 : i32 to vector<16xi32>
      %select_n3A_116 = arith.select %ge3A_98, %add3A_113, %broadcast_in_dim3A_115 : vector<16xi1>, vector<16xi32>
      %mul3A_117 = arith.constant 16 : i32
      %mul3A_118 = vector.broadcast %mul3A_117 : i32 to vector<16xi32>
      %mul3A_119 = arith.muli %select_n3A_116, %mul3A_118 : vector<16xi32>
      %add3A_120 = arith.addi %mul3A_119, %iota3A : vector<16xi32>
      tpu.vector_store_idx %arg11[%add3A_120], %broadcast_in_dim3A_18 masked %ge3A_98 {add = true} : memref<9216xf32, #tpu.memory_space<vmem>>[vector<16xi32>], vector<16xf32>, vector<16xi1>
      tpu.vector_store_idx %arg12[%add3A_120], %get3A_79 masked %ge3A_98 {add = true} : memref<9216xf32, #tpu.memory_space<vmem>>[vector<16xi32>], vector<16xf32>, vector<16xi1>
      %scan3A_121 = arith.constant 0 : i32
      %scan3A_122 = arith.constant 2 : i32
      %scan3A_123 = arith.addi %scan3A_27, %scan3A_122 : i32
      %mul3A_124 = arith.constant 16 : i32
      %mul3A_125 = arith.muli %scan3A_123, %mul3A_124 : i32
      %get3A_126 = arith.index_cast %mul3A_125 : i32 to index
      %get3A_127 = tpu.vector_load %arg7[%get3A_126] {strides = array<i32>} : memref<32768xf32, #tpu.memory_space<vmem>>, vector<16xf32>,
      %mul3A_128 = arith.constant 16 : i32
      %mul3A_129 = arith.muli %scan3A_123, %mul3A_128 : i32
      %get3A_130 = arith.index_cast %mul3A_129 : i32 to index
      %get3A_131 = tpu.vector_load %arg8[%get3A_130] {strides = array<i32>} : memref<32768xf32, #tpu.memory_space<vmem>>, vector<16xf32>,
      %mul3A_132 = arith.constant 1.024000e+03 : f32
      %mul3A_133 = vector.broadcast %mul3A_132 : f32 to vector<16xf32>
      %mul3A_134 = arith.mulf %get3A_127, %mul3A_133 : vector<16xf32>
      %convert_element_type3A_135 = arith.fptosi %mul3A_134 : vector<16xf32> to vector<16xi32>
      %jit3A_136 = arith.constant 0 : i32
      %jit3A_137 = arith.constant 1023 : i32
      %max3A_138 = vector.broadcast %jit3A_136 : i32 to vector<16xi32>
      %max3A_139 = arith.maxsi %max3A_138, %convert_element_type3A_135 : vector<16xi32>
      %min3A_140 = vector.broadcast %jit3A_137 : i32 to vector<16xi32>
      %min3A_141 = arith.minsi %min3A_140, %max3A_139 : vector<16xi32>
      %convert_element_type3A_142 = arith.sitofp %min3A_141 : vector<16xi32> to vector<16xf32>
      %mul3A_143 = arith.constant 16 : i32
      %mul3A_144 = vector.broadcast %mul3A_143 : i32 to vector<16xi32>
      %mul3A_145 = arith.muli %min3A_141, %mul3A_144 : vector<16xi32>
      %add3A_146 = arith.addi %mul3A_145, %iota3A : vector<16xi32>
      tpu.vector_store_idx %arg10[%add3A_146], %get3A_131 {add = true} : memref<16384xf32, #tpu.memory_space<vmem>>[vector<16xi32>], vector<16xf32>,
      %gather3A_147 = tpu.vector_load_idx %arg9[%min3A_141] : memref<1024xi32, #tpu.memory_space<vmem>>[vector<16xi32>], vector<16xi32>,
      %ge3A_148 = arith.constant 0 : i32
      %ge3A_149 = vector.broadcast %ge3A_148 : i32 to vector<16xi32>
      %ge3A_150 = arith.cmpi sge, %gather3A_147, %ge3A_149 : vector<16xi32>
      %sub3A_151 = arith.subf %mul3A_134, %convert_element_type3A_142 : vector<16xf32>
      %mul3A_152 = arith.constant 6.400000e+01 : f32
      %mul3A_153 = vector.broadcast %mul3A_152 : f32 to vector<16xf32>
      %mul3A_154 = arith.mulf %sub3A_151, %mul3A_153 : vector<16xf32>
      %convert_element_type3A_155 = arith.fptosi %mul3A_154 : vector<16xf32> to vector<16xi32>
      %jit3A_156 = arith.constant 0 : i32
      %jit3A_157 = arith.constant 63 : i32
      %max3A_158 = vector.broadcast %jit3A_156 : i32 to vector<16xi32>
      %max3A_159 = arith.maxsi %max3A_158, %convert_element_type3A_155 : vector<16xi32>
      %min3A_160 = vector.broadcast %jit3A_157 : i32 to vector<16xi32>
      %min3A_161 = arith.minsi %min3A_160, %max3A_159 : vector<16xi32>
      %mul3A_162 = arith.constant 64 : i32
      %mul3A_163 = vector.broadcast %mul3A_162 : i32 to vector<16xi32>
      %mul3A_164 = arith.muli %gather3A_147, %mul3A_163 : vector<16xi32>
      %add3A_165 = arith.addi %mul3A_164, %min3A_161 : vector<16xi32>
      %jit3A_166 = arith.constant 0 : i32
      %broadcast_in_dim3A_167 = vector.broadcast %jit3A_166 : i32 to vector<16xi32>
      %select_n3A_168 = arith.select %ge3A_150, %add3A_165, %broadcast_in_dim3A_167 : vector<16xi1>, vector<16xi32>
      %mul3A_169 = arith.constant 16 : i32
      %mul3A_170 = vector.broadcast %mul3A_169 : i32 to vector<16xi32>
      %mul3A_171 = arith.muli %select_n3A_168, %mul3A_170 : vector<16xi32>
      %add3A_172 = arith.addi %mul3A_171, %iota3A : vector<16xi32>
      tpu.vector_store_idx %arg11[%add3A_172], %broadcast_in_dim3A_18 masked %ge3A_150 {add = true} : memref<9216xf32, #tpu.memory_space<vmem>>[vector<16xi32>], vector<16xf32>, vector<16xi1>
      tpu.vector_store_idx %arg12[%add3A_172], %get3A_131 masked %ge3A_150 {add = true} : memref<9216xf32, #tpu.memory_space<vmem>>[vector<16xi32>], vector<16xf32>, vector<16xi1>
      %scan3A_173 = arith.constant 0 : i32
      %scan3A_174 = arith.constant 3 : i32
      %scan3A_175 = arith.addi %scan3A_27, %scan3A_174 : i32
      %mul3A_176 = arith.constant 16 : i32
      %mul3A_177 = arith.muli %scan3A_175, %mul3A_176 : i32
      %get3A_178 = arith.index_cast %mul3A_177 : i32 to index
      %get3A_179 = tpu.vector_load %arg7[%get3A_178] {strides = array<i32>} : memref<32768xf32, #tpu.memory_space<vmem>>, vector<16xf32>,
      %mul3A_180 = arith.constant 16 : i32
      %mul3A_181 = arith.muli %scan3A_175, %mul3A_180 : i32
      %get3A_182 = arith.index_cast %mul3A_181 : i32 to index
      %get3A_183 = tpu.vector_load %arg8[%get3A_182] {strides = array<i32>} : memref<32768xf32, #tpu.memory_space<vmem>>, vector<16xf32>,
      %mul3A_184 = arith.constant 1.024000e+03 : f32
      %mul3A_185 = vector.broadcast %mul3A_184 : f32 to vector<16xf32>
      %mul3A_186 = arith.mulf %get3A_179, %mul3A_185 : vector<16xf32>
      %convert_element_type3A_187 = arith.fptosi %mul3A_186 : vector<16xf32> to vector<16xi32>
      %jit3A_188 = arith.constant 0 : i32
      %jit3A_189 = arith.constant 1023 : i32
      %max3A_190 = vector.broadcast %jit3A_188 : i32 to vector<16xi32>
      %max3A_191 = arith.maxsi %max3A_190, %convert_element_type3A_187 : vector<16xi32>
      %min3A_192 = vector.broadcast %jit3A_189 : i32 to vector<16xi32>
      %min3A_193 = arith.minsi %min3A_192, %max3A_191 : vector<16xi32>
      %convert_element_type3A_194 = arith.sitofp %min3A_193 : vector<16xi32> to vector<16xf32>
      %mul3A_195 = arith.constant 16 : i32
      %mul3A_196 = vector.broadcast %mul3A_195 : i32 to vector<16xi32>
      %mul3A_197 = arith.muli %min3A_193, %mul3A_196 : vector<16xi32>
      %add3A_198 = arith.addi %mul3A_197, %iota3A : vector<16xi32>
      tpu.vector_store_idx %arg10[%add3A_198], %get3A_183 {add = true} : memref<16384xf32, #tpu.memory_space<vmem>>[vector<16xi32>], vector<16xf32>,
      %gather3A_199 = tpu.vector_load_idx %arg9[%min3A_193] : memref<1024xi32, #tpu.memory_space<vmem>>[vector<16xi32>], vector<16xi32>,
      %ge3A_200 = arith.constant 0 : i32
      %ge3A_201 = vector.broadcast %ge3A_200 : i32 to vector<16xi32>
      %ge3A_202 = arith.cmpi sge, %gather3A_199, %ge3A_201 : vector<16xi32>
      %sub3A_203 = arith.subf %mul3A_186, %convert_element_type3A_194 : vector<16xf32>
      %mul3A_204 = arith.constant 6.400000e+01 : f32
      %mul3A_205 = vector.broadcast %mul3A_204 : f32 to vector<16xf32>
      %mul3A_206 = arith.mulf %sub3A_203, %mul3A_205 : vector<16xf32>
      %convert_element_type3A_207 = arith.fptosi %mul3A_206 : vector<16xf32> to vector<16xi32>
      %jit3A_208 = arith.constant 0 : i32
      %jit3A_209 = arith.constant 63 : i32
      %max3A_210 = vector.broadcast %jit3A_208 : i32 to vector<16xi32>
      %max3A_211 = arith.maxsi %max3A_210, %convert_element_type3A_207 : vector<16xi32>
      %min3A_212 = vector.broadcast %jit3A_209 : i32 to vector<16xi32>
      %min3A_213 = arith.minsi %min3A_212, %max3A_211 : vector<16xi32>
      %mul3A_214 = arith.constant 64 : i32
      %mul3A_215 = vector.broadcast %mul3A_214 : i32 to vector<16xi32>
      %mul3A_216 = arith.muli %gather3A_199, %mul3A_215 : vector<16xi32>
      %add3A_217 = arith.addi %mul3A_216, %min3A_213 : vector<16xi32>
      %jit3A_218 = arith.constant 0 : i32
      %broadcast_in_dim3A_219 = vector.broadcast %jit3A_218 : i32 to vector<16xi32>
      %select_n3A_220 = arith.select %ge3A_202, %add3A_217, %broadcast_in_dim3A_219 : vector<16xi1>, vector<16xi32>
      %mul3A_221 = arith.constant 16 : i32
      %mul3A_222 = vector.broadcast %mul3A_221 : i32 to vector<16xi32>
      %mul3A_223 = arith.muli %select_n3A_220, %mul3A_222 : vector<16xi32>
      %add3A_224 = arith.addi %mul3A_223, %iota3A : vector<16xi32>
      tpu.vector_store_idx %arg11[%add3A_224], %broadcast_in_dim3A_18 masked %ge3A_202 {add = true} : memref<9216xf32, #tpu.memory_space<vmem>>[vector<16xi32>], vector<16xf32>, vector<16xi1>
      tpu.vector_store_idx %arg12[%add3A_224], %get3A_183 masked %ge3A_202 {add = true} : memref<9216xf32, #tpu.memory_space<vmem>>[vector<16xi32>], vector<16xf32>, vector<16xi1>
      %scan3A_225 = arith.constant 0 : i32
      %scan3A_226 = arith.constant 4 : i32
      %scan3A_227 = arith.addi %scan3A_27, %scan3A_226 : i32
      %mul3A_228 = arith.constant 16 : i32
      %mul3A_229 = arith.muli %scan3A_227, %mul3A_228 : i32
      %get3A_230 = arith.index_cast %mul3A_229 : i32 to index
      %get3A_231 = tpu.vector_load %arg7[%get3A_230] {strides = array<i32>} : memref<32768xf32, #tpu.memory_space<vmem>>, vector<16xf32>,
      %mul3A_232 = arith.constant 16 : i32
      %mul3A_233 = arith.muli %scan3A_227, %mul3A_232 : i32
      %get3A_234 = arith.index_cast %mul3A_233 : i32 to index
      %get3A_235 = tpu.vector_load %arg8[%get3A_234] {strides = array<i32>} : memref<32768xf32, #tpu.memory_space<vmem>>, vector<16xf32>,
      %mul3A_236 = arith.constant 1.024000e+03 : f32
      %mul3A_237 = vector.broadcast %mul3A_236 : f32 to vector<16xf32>
      %mul3A_238 = arith.mulf %get3A_231, %mul3A_237 : vector<16xf32>
      %convert_element_type3A_239 = arith.fptosi %mul3A_238 : vector<16xf32> to vector<16xi32>
      %jit3A_240 = arith.constant 0 : i32
      %jit3A_241 = arith.constant 1023 : i32
      %max3A_242 = vector.broadcast %jit3A_240 : i32 to vector<16xi32>
      %max3A_243 = arith.maxsi %max3A_242, %convert_element_type3A_239 : vector<16xi32>
      %min3A_244 = vector.broadcast %jit3A_241 : i32 to vector<16xi32>
      %min3A_245 = arith.minsi %min3A_244, %max3A_243 : vector<16xi32>
      %convert_element_type3A_246 = arith.sitofp %min3A_245 : vector<16xi32> to vector<16xf32>
      %mul3A_247 = arith.constant 16 : i32
      %mul3A_248 = vector.broadcast %mul3A_247 : i32 to vector<16xi32>
      %mul3A_249 = arith.muli %min3A_245, %mul3A_248 : vector<16xi32>
      %add3A_250 = arith.addi %mul3A_249, %iota3A : vector<16xi32>
      tpu.vector_store_idx %arg10[%add3A_250], %get3A_235 {add = true} : memref<16384xf32, #tpu.memory_space<vmem>>[vector<16xi32>], vector<16xf32>,
      %gather3A_251 = tpu.vector_load_idx %arg9[%min3A_245] : memref<1024xi32, #tpu.memory_space<vmem>>[vector<16xi32>], vector<16xi32>,
      %ge3A_252 = arith.constant 0 : i32
      %ge3A_253 = vector.broadcast %ge3A_252 : i32 to vector<16xi32>
      %ge3A_254 = arith.cmpi sge, %gather3A_251, %ge3A_253 : vector<16xi32>
      %sub3A_255 = arith.subf %mul3A_238, %convert_element_type3A_246 : vector<16xf32>
      %mul3A_256 = arith.constant 6.400000e+01 : f32
      %mul3A_257 = vector.broadcast %mul3A_256 : f32 to vector<16xf32>
      %mul3A_258 = arith.mulf %sub3A_255, %mul3A_257 : vector<16xf32>
      %convert_element_type3A_259 = arith.fptosi %mul3A_258 : vector<16xf32> to vector<16xi32>
      %jit3A_260 = arith.constant 0 : i32
      %jit3A_261 = arith.constant 63 : i32
      %max3A_262 = vector.broadcast %jit3A_260 : i32 to vector<16xi32>
      %max3A_263 = arith.maxsi %max3A_262, %convert_element_type3A_259 : vector<16xi32>
      %min3A_264 = vector.broadcast %jit3A_261 : i32 to vector<16xi32>
      %min3A_265 = arith.minsi %min3A_264, %max3A_263 : vector<16xi32>
      %mul3A_266 = arith.constant 64 : i32
      %mul3A_267 = vector.broadcast %mul3A_266 : i32 to vector<16xi32>
      %mul3A_268 = arith.muli %gather3A_251, %mul3A_267 : vector<16xi32>
      %add3A_269 = arith.addi %mul3A_268, %min3A_265 : vector<16xi32>
      %jit3A_270 = arith.constant 0 : i32
      %broadcast_in_dim3A_271 = vector.broadcast %jit3A_270 : i32 to vector<16xi32>
      %select_n3A_272 = arith.select %ge3A_254, %add3A_269, %broadcast_in_dim3A_271 : vector<16xi1>, vector<16xi32>
      %mul3A_273 = arith.constant 16 : i32
      %mul3A_274 = vector.broadcast %mul3A_273 : i32 to vector<16xi32>
      %mul3A_275 = arith.muli %select_n3A_272, %mul3A_274 : vector<16xi32>
      %add3A_276 = arith.addi %mul3A_275, %iota3A : vector<16xi32>
      tpu.vector_store_idx %arg11[%add3A_276], %broadcast_in_dim3A_18 masked %ge3A_254 {add = true} : memref<9216xf32, #tpu.memory_space<vmem>>[vector<16xi32>], vector<16xf32>, vector<16xi1>
      tpu.vector_store_idx %arg12[%add3A_276], %get3A_235 masked %ge3A_254 {add = true} : memref<9216xf32, #tpu.memory_space<vmem>>[vector<16xi32>], vector<16xf32>, vector<16xi1>
      %scan3A_277 = arith.constant 0 : i32
      %scan3A_278 = arith.constant 5 : i32
      %scan3A_279 = arith.addi %scan3A_27, %scan3A_278 : i32
      %mul3A_280 = arith.constant 16 : i32
      %mul3A_281 = arith.muli %scan3A_279, %mul3A_280 : i32
      %get3A_282 = arith.index_cast %mul3A_281 : i32 to index
      %get3A_283 = tpu.vector_load %arg7[%get3A_282] {strides = array<i32>} : memref<32768xf32, #tpu.memory_space<vmem>>, vector<16xf32>,
      %mul3A_284 = arith.constant 16 : i32
      %mul3A_285 = arith.muli %scan3A_279, %mul3A_284 : i32
      %get3A_286 = arith.index_cast %mul3A_285 : i32 to index
      %get3A_287 = tpu.vector_load %arg8[%get3A_286] {strides = array<i32>} : memref<32768xf32, #tpu.memory_space<vmem>>, vector<16xf32>,
      %mul3A_288 = arith.constant 1.024000e+03 : f32
      %mul3A_289 = vector.broadcast %mul3A_288 : f32 to vector<16xf32>
      %mul3A_290 = arith.mulf %get3A_283, %mul3A_289 : vector<16xf32>
      %convert_element_type3A_291 = arith.fptosi %mul3A_290 : vector<16xf32> to vector<16xi32>
      %jit3A_292 = arith.constant 0 : i32
      %jit3A_293 = arith.constant 1023 : i32
      %max3A_294 = vector.broadcast %jit3A_292 : i32 to vector<16xi32>
      %max3A_295 = arith.maxsi %max3A_294, %convert_element_type3A_291 : vector<16xi32>
      %min3A_296 = vector.broadcast %jit3A_293 : i32 to vector<16xi32>
      %min3A_297 = arith.minsi %min3A_296, %max3A_295 : vector<16xi32>
      %convert_element_type3A_298 = arith.sitofp %min3A_297 : vector<16xi32> to vector<16xf32>
      %mul3A_299 = arith.constant 16 : i32
      %mul3A_300 = vector.broadcast %mul3A_299 : i32 to vector<16xi32>
      %mul3A_301 = arith.muli %min3A_297, %mul3A_300 : vector<16xi32>
      %add3A_302 = arith.addi %mul3A_301, %iota3A : vector<16xi32>
      tpu.vector_store_idx %arg10[%add3A_302], %get3A_287 {add = true} : memref<16384xf32, #tpu.memory_space<vmem>>[vector<16xi32>], vector<16xf32>,
      %gather3A_303 = tpu.vector_load_idx %arg9[%min3A_297] : memref<1024xi32, #tpu.memory_space<vmem>>[vector<16xi32>], vector<16xi32>,
      %ge3A_304 = arith.constant 0 : i32
      %ge3A_305 = vector.broadcast %ge3A_304 : i32 to vector<16xi32>
      %ge3A_306 = arith.cmpi sge, %gather3A_303, %ge3A_305 : vector<16xi32>
      %sub3A_307 = arith.subf %mul3A_290, %convert_element_type3A_298 : vector<16xf32>
      %mul3A_308 = arith.constant 6.400000e+01 : f32
      %mul3A_309 = vector.broadcast %mul3A_308 : f32 to vector<16xf32>
      %mul3A_310 = arith.mulf %sub3A_307, %mul3A_309 : vector<16xf32>
      %convert_element_type3A_311 = arith.fptosi %mul3A_310 : vector<16xf32> to vector<16xi32>
      %jit3A_312 = arith.constant 0 : i32
      %jit3A_313 = arith.constant 63 : i32
      %max3A_314 = vector.broadcast %jit3A_312 : i32 to vector<16xi32>
      %max3A_315 = arith.maxsi %max3A_314, %convert_element_type3A_311 : vector<16xi32>
      %min3A_316 = vector.broadcast %jit3A_313 : i32 to vector<16xi32>
      %min3A_317 = arith.minsi %min3A_316, %max3A_315 : vector<16xi32>
      %mul3A_318 = arith.constant 64 : i32
      %mul3A_319 = vector.broadcast %mul3A_318 : i32 to vector<16xi32>
      %mul3A_320 = arith.muli %gather3A_303, %mul3A_319 : vector<16xi32>
      %add3A_321 = arith.addi %mul3A_320, %min3A_317 : vector<16xi32>
      %jit3A_322 = arith.constant 0 : i32
      %broadcast_in_dim3A_323 = vector.broadcast %jit3A_322 : i32 to vector<16xi32>
      %select_n3A_324 = arith.select %ge3A_306, %add3A_321, %broadcast_in_dim3A_323 : vector<16xi1>, vector<16xi32>
      %mul3A_325 = arith.constant 16 : i32
      %mul3A_326 = vector.broadcast %mul3A_325 : i32 to vector<16xi32>
      %mul3A_327 = arith.muli %select_n3A_324, %mul3A_326 : vector<16xi32>
      %add3A_328 = arith.addi %mul3A_327, %iota3A : vector<16xi32>
      tpu.vector_store_idx %arg11[%add3A_328], %broadcast_in_dim3A_18 masked %ge3A_306 {add = true} : memref<9216xf32, #tpu.memory_space<vmem>>[vector<16xi32>], vector<16xf32>, vector<16xi1>
      tpu.vector_store_idx %arg12[%add3A_328], %get3A_287 masked %ge3A_306 {add = true} : memref<9216xf32, #tpu.memory_space<vmem>>[vector<16xi32>], vector<16xf32>, vector<16xi1>
      %scan3A_329 = arith.constant 0 : i32
      %scan3A_330 = arith.constant 6 : i32
      %scan3A_331 = arith.addi %scan3A_27, %scan3A_330 : i32
      %mul3A_332 = arith.constant 16 : i32
      %mul3A_333 = arith.muli %scan3A_331, %mul3A_332 : i32
      %get3A_334 = arith.index_cast %mul3A_333 : i32 to index
      %get3A_335 = tpu.vector_load %arg7[%get3A_334] {strides = array<i32>} : memref<32768xf32, #tpu.memory_space<vmem>>, vector<16xf32>,
      %mul3A_336 = arith.constant 16 : i32
      %mul3A_337 = arith.muli %scan3A_331, %mul3A_336 : i32
      %get3A_338 = arith.index_cast %mul3A_337 : i32 to index
      %get3A_339 = tpu.vector_load %arg8[%get3A_338] {strides = array<i32>} : memref<32768xf32, #tpu.memory_space<vmem>>, vector<16xf32>,
      %mul3A_340 = arith.constant 1.024000e+03 : f32
      %mul3A_341 = vector.broadcast %mul3A_340 : f32 to vector<16xf32>
      %mul3A_342 = arith.mulf %get3A_335, %mul3A_341 : vector<16xf32>
      %convert_element_type3A_343 = arith.fptosi %mul3A_342 : vector<16xf32> to vector<16xi32>
      %jit3A_344 = arith.constant 0 : i32
      %jit3A_345 = arith.constant 1023 : i32
      %max3A_346 = vector.broadcast %jit3A_344 : i32 to vector<16xi32>
      %max3A_347 = arith.maxsi %max3A_346, %convert_element_type3A_343 : vector<16xi32>
      %min3A_348 = vector.broadcast %jit3A_345 : i32 to vector<16xi32>
      %min3A_349 = arith.minsi %min3A_348, %max3A_347 : vector<16xi32>
      %convert_element_type3A_350 = arith.sitofp %min3A_349 : vector<16xi32> to vector<16xf32>
      %mul3A_351 = arith.constant 16 : i32
      %mul3A_352 = vector.broadcast %mul3A_351 : i32 to vector<16xi32>
      %mul3A_353 = arith.muli %min3A_349, %mul3A_352 : vector<16xi32>
      %add3A_354 = arith.addi %mul3A_353, %iota3A : vector<16xi32>
      tpu.vector_store_idx %arg10[%add3A_354], %get3A_339 {add = true} : memref<16384xf32, #tpu.memory_space<vmem>>[vector<16xi32>], vector<16xf32>,
      %gather3A_355 = tpu.vector_load_idx %arg9[%min3A_349] : memref<1024xi32, #tpu.memory_space<vmem>>[vector<16xi32>], vector<16xi32>,
      %ge3A_356 = arith.constant 0 : i32
      %ge3A_357 = vector.broadcast %ge3A_356 : i32 to vector<16xi32>
      %ge3A_358 = arith.cmpi sge, %gather3A_355, %ge3A_357 : vector<16xi32>
      %sub3A_359 = arith.subf %mul3A_342, %convert_element_type3A_350 : vector<16xf32>
      %mul3A_360 = arith.constant 6.400000e+01 : f32
      %mul3A_361 = vector.broadcast %mul3A_360 : f32 to vector<16xf32>
      %mul3A_362 = arith.mulf %sub3A_359, %mul3A_361 : vector<16xf32>
      %convert_element_type3A_363 = arith.fptosi %mul3A_362 : vector<16xf32> to vector<16xi32>
      %jit3A_364 = arith.constant 0 : i32
      %jit3A_365 = arith.constant 63 : i32
      %max3A_366 = vector.broadcast %jit3A_364 : i32 to vector<16xi32>
      %max3A_367 = arith.maxsi %max3A_366, %convert_element_type3A_363 : vector<16xi32>
      %min3A_368 = vector.broadcast %jit3A_365 : i32 to vector<16xi32>
      %min3A_369 = arith.minsi %min3A_368, %max3A_367 : vector<16xi32>
      %mul3A_370 = arith.constant 64 : i32
      %mul3A_371 = vector.broadcast %mul3A_370 : i32 to vector<16xi32>
      %mul3A_372 = arith.muli %gather3A_355, %mul3A_371 : vector<16xi32>
      %add3A_373 = arith.addi %mul3A_372, %min3A_369 : vector<16xi32>
      %jit3A_374 = arith.constant 0 : i32
      %broadcast_in_dim3A_375 = vector.broadcast %jit3A_374 : i32 to vector<16xi32>
      %select_n3A_376 = arith.select %ge3A_358, %add3A_373, %broadcast_in_dim3A_375 : vector<16xi1>, vector<16xi32>
      %mul3A_377 = arith.constant 16 : i32
      %mul3A_378 = vector.broadcast %mul3A_377 : i32 to vector<16xi32>
      %mul3A_379 = arith.muli %select_n3A_376, %mul3A_378 : vector<16xi32>
      %add3A_380 = arith.addi %mul3A_379, %iota3A : vector<16xi32>
      tpu.vector_store_idx %arg11[%add3A_380], %broadcast_in_dim3A_18 masked %ge3A_358 {add = true} : memref<9216xf32, #tpu.memory_space<vmem>>[vector<16xi32>], vector<16xf32>, vector<16xi1>
      tpu.vector_store_idx %arg12[%add3A_380], %get3A_339 masked %ge3A_358 {add = true} : memref<9216xf32, #tpu.memory_space<vmem>>[vector<16xi32>], vector<16xf32>, vector<16xi1>
      %scan3A_381 = arith.constant 0 : i32
      %scan3A_382 = arith.constant 7 : i32
      %scan3A_383 = arith.addi %scan3A_27, %scan3A_382 : i32
      %mul3A_384 = arith.constant 16 : i32
      %mul3A_385 = arith.muli %scan3A_383, %mul3A_384 : i32
      %get3A_386 = arith.index_cast %mul3A_385 : i32 to index
      %get3A_387 = tpu.vector_load %arg7[%get3A_386] {strides = array<i32>} : memref<32768xf32, #tpu.memory_space<vmem>>, vector<16xf32>,
      %mul3A_388 = arith.constant 16 : i32
      %mul3A_389 = arith.muli %scan3A_383, %mul3A_388 : i32
      %get3A_390 = arith.index_cast %mul3A_389 : i32 to index
      %get3A_391 = tpu.vector_load %arg8[%get3A_390] {strides = array<i32>} : memref<32768xf32, #tpu.memory_space<vmem>>, vector<16xf32>,
      %mul3A_392 = arith.constant 1.024000e+03 : f32
      %mul3A_393 = vector.broadcast %mul3A_392 : f32 to vector<16xf32>
      %mul3A_394 = arith.mulf %get3A_387, %mul3A_393 : vector<16xf32>
      %convert_element_type3A_395 = arith.fptosi %mul3A_394 : vector<16xf32> to vector<16xi32>
      %jit3A_396 = arith.constant 0 : i32
      %jit3A_397 = arith.constant 1023 : i32
      %max3A_398 = vector.broadcast %jit3A_396 : i32 to vector<16xi32>
      %max3A_399 = arith.maxsi %max3A_398, %convert_element_type3A_395 : vector<16xi32>
      %min3A_400 = vector.broadcast %jit3A_397 : i32 to vector<16xi32>
      %min3A_401 = arith.minsi %min3A_400, %max3A_399 : vector<16xi32>
      %convert_element_type3A_402 = arith.sitofp %min3A_401 : vector<16xi32> to vector<16xf32>
      %mul3A_403 = arith.constant 16 : i32
      %mul3A_404 = vector.broadcast %mul3A_403 : i32 to vector<16xi32>
      %mul3A_405 = arith.muli %min3A_401, %mul3A_404 : vector<16xi32>
      %add3A_406 = arith.addi %mul3A_405, %iota3A : vector<16xi32>
      tpu.vector_store_idx %arg10[%add3A_406], %get3A_391 {add = true} : memref<16384xf32, #tpu.memory_space<vmem>>[vector<16xi32>], vector<16xf32>,
      %gather3A_407 = tpu.vector_load_idx %arg9[%min3A_401] : memref<1024xi32, #tpu.memory_space<vmem>>[vector<16xi32>], vector<16xi32>,
      %ge3A_408 = arith.constant 0 : i32
      %ge3A_409 = vector.broadcast %ge3A_408 : i32 to vector<16xi32>
      %ge3A_410 = arith.cmpi sge, %gather3A_407, %ge3A_409 : vector<16xi32>
      %sub3A_411 = arith.subf %mul3A_394, %convert_element_type3A_402 : vector<16xf32>
      %mul3A_412 = arith.constant 6.400000e+01 : f32
      %mul3A_413 = vector.broadcast %mul3A_412 : f32 to vector<16xf32>
      %mul3A_414 = arith.mulf %sub3A_411, %mul3A_413 : vector<16xf32>
      %convert_element_type3A_415 = arith.fptosi %mul3A_414 : vector<16xf32> to vector<16xi32>
      %jit3A_416 = arith.constant 0 : i32
      %jit3A_417 = arith.constant 63 : i32
      %max3A_418 = vector.broadcast %jit3A_416 : i32 to vector<16xi32>
      %max3A_419 = arith.maxsi %max3A_418, %convert_element_type3A_415 : vector<16xi32>
      %min3A_420 = vector.broadcast %jit3A_417 : i32 to vector<16xi32>
      %min3A_421 = arith.minsi %min3A_420, %max3A_419 : vector<16xi32>
      %mul3A_422 = arith.constant 64 : i32
      %mul3A_423 = vector.broadcast %mul3A_422 : i32 to vector<16xi32>
      %mul3A_424 = arith.muli %gather3A_407, %mul3A_423 : vector<16xi32>
      %add3A_425 = arith.addi %mul3A_424, %min3A_421 : vector<16xi32>
      %jit3A_426 = arith.constant 0 : i32
      %broadcast_in_dim3A_427 = vector.broadcast %jit3A_426 : i32 to vector<16xi32>
      %select_n3A_428 = arith.select %ge3A_410, %add3A_425, %broadcast_in_dim3A_427 : vector<16xi1>, vector<16xi32>
      %mul3A_429 = arith.constant 16 : i32
      %mul3A_430 = vector.broadcast %mul3A_429 : i32 to vector<16xi32>
      %mul3A_431 = arith.muli %select_n3A_428, %mul3A_430 : vector<16xi32>
      %add3A_432 = arith.addi %mul3A_431, %iota3A : vector<16xi32>
      tpu.vector_store_idx %arg11[%add3A_432], %broadcast_in_dim3A_18 masked %ge3A_410 {add = true} : memref<9216xf32, #tpu.memory_space<vmem>>[vector<16xi32>], vector<16xf32>, vector<16xi1>
      tpu.vector_store_idx %arg12[%add3A_432], %get3A_391 masked %ge3A_410 {add = true} : memref<9216xf32, #tpu.memory_space<vmem>>[vector<16xi32>], vector<16xf32>, vector<16xi1>
      %scan3A_433 = arith.constant 0 : i32
      scf.yield %scan3A_433 : i32
    }
    %scan3A_25 = arith.constant 2048 : i32
    %run_scoped3A = arith.constant 0 : i32
    "tpu.region"() ({
      %run_scoped3A_27 = tpu.sem_alloc : memref<!tpu.dma_semaphore, #tpu.memory_space<semaphore_mem>>
      %dma_start3A = arith.constant 0 : i32
      %dma_start3A_28 = tpu.memref_slice %arg6[%run_scoped3A, %add3A, %dma_start3A] : memref<2x32x9216xf32, #tpu.memory_space<hbm>> -> memref<1x1x9216xf32, #tpu.memory_space<hbm>>
      %dma_start3A_29 = tpu.memref_squeeze %dma_start3A_28 : memref<1x1x9216xf32, #tpu.memory_space<hbm>> -> memref<9216xf32, #tpu.memory_space<hbm>>
      %dma_start3A_30 = arith.constant 0 : i32
      %dma_start3A_31 = tpu.memref_slice %arg6[%run_scoped3A, %add3A, %dma_start3A_30] : memref<2x32x9216xf32, #tpu.memory_space<hbm>> -> memref<1x1x9216xf32, #tpu.memory_space<hbm>>
      %dma_start3A_32 = tpu.memref_squeeze %dma_start3A_31 : memref<1x1x9216xf32, #tpu.memory_space<hbm>> -> memref<9216xf32, #tpu.memory_space<hbm>>
      tpu.enqueue_dma source(%arg11 : memref<9216xf32, #tpu.memory_space<vmem>>) target(%dma_start3A_32 : memref<9216xf32, #tpu.memory_space<hbm>>) target_semaphore(%run_scoped3A_27 : memref<!tpu.dma_semaphore, #tpu.memory_space<semaphore_mem>>)
      %dma_wait3A = arith.constant 0 : i32
      %dma_wait3A_33 = tpu.memref_slice %arg6[%run_scoped3A, %add3A, %dma_wait3A] : memref<2x32x9216xf32, #tpu.memory_space<hbm>> -> memref<1x1x9216xf32, #tpu.memory_space<hbm>>
      %dma_wait3A_34 = tpu.memref_squeeze %dma_wait3A_33 : memref<1x1x9216xf32, #tpu.memory_space<hbm>> -> memref<9216xf32, #tpu.memory_space<hbm>>
      %dma_wait3A_35 = arith.constant 0 : i32
      %dma_wait3A_36 = tpu.memref_slice %arg6[%run_scoped3A, %add3A, %dma_wait3A_35] : memref<2x32x9216xf32, #tpu.memory_space<hbm>> -> memref<1x1x9216xf32, #tpu.memory_space<hbm>>
      %dma_wait3A_37 = tpu.memref_squeeze %dma_wait3A_36 : memref<1x1x9216xf32, #tpu.memory_space<hbm>> -> memref<9216xf32, #tpu.memory_space<hbm>>
      tpu.wait_dma2 semaphore(%run_scoped3A_27 : memref<!tpu.dma_semaphore, #tpu.memory_space<semaphore_mem>>) src(%arg11 : memref<9216xf32, #tpu.memory_space<vmem>>) dst(%dma_wait3A_37 : memref<9216xf32, #tpu.memory_space<hbm>>)
      tpu.yield
    }) : () -> ()
    %run_scoped3A_26 = arith.constant 1 : i32
    "tpu.region"() ({
      %run_scoped3A_27 = tpu.sem_alloc : memref<!tpu.dma_semaphore, #tpu.memory_space<semaphore_mem>>
      %dma_start3A = arith.constant 0 : i32
      %dma_start3A_28 = tpu.memref_slice %arg6[%run_scoped3A_26, %add3A, %dma_start3A] : memref<2x32x9216xf32, #tpu.memory_space<hbm>> -> memref<1x1x9216xf32, #tpu.memory_space<hbm>>
      %dma_start3A_29 = tpu.memref_squeeze %dma_start3A_28 : memref<1x1x9216xf32, #tpu.memory_space<hbm>> -> memref<9216xf32, #tpu.memory_space<hbm>>
      %dma_start3A_30 = arith.constant 0 : i32
      %dma_start3A_31 = tpu.memref_slice %arg6[%run_scoped3A_26, %add3A, %dma_start3A_30] : memref<2x32x9216xf32, #tpu.memory_space<hbm>> -> memref<1x1x9216xf32, #tpu.memory_space<hbm>>
      %dma_start3A_32 = tpu.memref_squeeze %dma_start3A_31 : memref<1x1x9216xf32, #tpu.memory_space<hbm>> -> memref<9216xf32, #tpu.memory_space<hbm>>
      tpu.enqueue_dma source(%arg12 : memref<9216xf32, #tpu.memory_space<vmem>>) target(%dma_start3A_32 : memref<9216xf32, #tpu.memory_space<hbm>>) target_semaphore(%run_scoped3A_27 : memref<!tpu.dma_semaphore, #tpu.memory_space<semaphore_mem>>)
      %dma_wait3A = arith.constant 0 : i32
      %dma_wait3A_33 = tpu.memref_slice %arg6[%run_scoped3A_26, %add3A, %dma_wait3A] : memref<2x32x9216xf32, #tpu.memory_space<hbm>> -> memref<1x1x9216xf32, #tpu.memory_space<hbm>>
      %dma_wait3A_34 = tpu.memref_squeeze %dma_wait3A_33 : memref<1x1x9216xf32, #tpu.memory_space<hbm>> -> memref<9216xf32, #tpu.memory_space<hbm>>
      %dma_wait3A_35 = arith.constant 0 : i32
      %dma_wait3A_36 = tpu.memref_slice %arg6[%run_scoped3A_26, %add3A, %dma_wait3A_35] : memref<2x32x9216xf32, #tpu.memory_space<hbm>> -> memref<1x1x9216xf32, #tpu.memory_space<hbm>>
      %dma_wait3A_37 = tpu.memref_squeeze %dma_wait3A_36 : memref<1x1x9216xf32, #tpu.memory_space<hbm>> -> memref<9216xf32, #tpu.memory_space<hbm>>
      tpu.wait_dma2 semaphore(%run_scoped3A_27 : memref<!tpu.dma_semaphore, #tpu.memory_space<semaphore_mem>>) src(%arg12 : memref<9216xf32, #tpu.memory_space<vmem>>) dst(%dma_wait3A_37 : memref<9216xf32, #tpu.memory_space<hbm>>)
      tpu.yield
    }) : () -> ()
    "tpu.region"() ({
      %run_scoped3A_27 = tpu.sem_alloc : memref<!tpu.dma_semaphore, #tpu.memory_space<semaphore_mem>>
      %dma_start3A = arith.constant 0 : i32
      %dma_start3A_28 = tpu.memref_slice %arg5[%add3A, %dma_start3A] : memref<32x16384xf32, #tpu.memory_space<hbm>> -> memref<1x16384xf32, #tpu.memory_space<hbm>>
      %dma_start3A_29 = tpu.memref_squeeze %dma_start3A_28 : memref<1x16384xf32, #tpu.memory_space<hbm>> -> memref<16384xf32, #tpu.memory_space<hbm>>
      %dma_start3A_30 = arith.constant 0 : i32
      %dma_start3A_31 = tpu.memref_slice %arg5[%add3A, %dma_start3A_30] : memref<32x16384xf32, #tpu.memory_space<hbm>> -> memref<1x16384xf32, #tpu.memory_space<hbm>>
      %dma_start3A_32 = tpu.memref_squeeze %dma_start3A_31 : memref<1x16384xf32, #tpu.memory_space<hbm>> -> memref<16384xf32, #tpu.memory_space<hbm>>
      tpu.enqueue_dma source(%arg10 : memref<16384xf32, #tpu.memory_space<vmem>>) target(%dma_start3A_32 : memref<16384xf32, #tpu.memory_space<hbm>>) target_semaphore(%run_scoped3A_27 : memref<!tpu.dma_semaphore, #tpu.memory_space<semaphore_mem>>)
      %dma_wait3A = arith.constant 0 : i32
      %dma_wait3A_33 = tpu.memref_slice %arg5[%add3A, %dma_wait3A] : memref<32x16384xf32, #tpu.memory_space<hbm>> -> memref<1x16384xf32, #tpu.memory_space<hbm>>
      %dma_wait3A_34 = tpu.memref_squeeze %dma_wait3A_33 : memref<1x16384xf32, #tpu.memory_space<hbm>> -> memref<16384xf32, #tpu.memory_space<hbm>>
      %dma_wait3A_35 = arith.constant 0 : i32
      %dma_wait3A_36 = tpu.memref_slice %arg5[%add3A, %dma_wait3A_35] : memref<32x16384xf32, #tpu.memory_space<hbm>> -> memref<1x16384xf32, #tpu.memory_space<hbm>>
      %dma_wait3A_37 = tpu.memref_squeeze %dma_wait3A_36 : memref<1x16384xf32, #tpu.memory_space<hbm>> -> memref<16384xf32, #tpu.memory_space<hbm>>
      tpu.wait_dma2 semaphore(%run_scoped3A_27 : memref<!tpu.dma_semaphore, #tpu.memory_space<semaphore_mem>>) src(%arg10 : memref<16384xf32, #tpu.memory_space<vmem>>) dst(%dma_wait3A_37 : memref<16384xf32, #tpu.memory_space<hbm>>)
      tpu.yield
    }) : () -> ()
    return
  }
}

#map = affine_map<(d0, d1) -> (0)>
#map1 = affine_map<(d0, d1) -> (0, 0)>
module attributes {stable_mosaic.version = 14 : i64} {
  func.func @_hist_l1_body(%arg0: i32, %arg1: i32, %arg2: memref<1048576xf32, #tpu.memory_space<hbm>>, %arg3: memref<32x16384xf32, #tpu.memory_space<hbm>>, %arg4: memref<32768xf32, #tpu.memory_space<vmem>>, %arg5: memref<16384xf32, #tpu.memory_space<vmem>>) attributes {dimension_semantics = [#tpu.dimension_semantics<core_parallel>, #tpu.dimension_semantics<subcore_parallel>], iteration_bounds = array<i64: 2, 16>, scalar_prefetch = 0 : i64, scratch_operands = 2 : i64, tpu.core_type = #tpu.core_type<sc_vector_subcore>, window_params = [{transform_indices = #map}, {transform_indices = #map1}]} {
    %mul3A = arith.constant 2 : i32
    %mul3A_0 = arith.muli %arg1, %mul3A : i32
    %add3A = arith.addi %mul3A_0, %arg0 : i32
    %mul3A_1 = arith.constant 32768 : i32
    %mul3A_2 = arith.muli %add3A, %mul3A_1 : i32
    "tpu.region"() ({
      %run_scoped3A = tpu.sem_alloc : memref<!tpu.dma_semaphore, #tpu.memory_space<semaphore_mem>>
      %dma_start3A = tpu.memref_slice %arg2[%mul3A_2] : memref<1048576xf32, #tpu.memory_space<hbm>> -> memref<32768xf32, #tpu.memory_space<hbm>>
      %dma_start3A_19 = tpu.memref_slice %arg2[%mul3A_2] : memref<1048576xf32, #tpu.memory_space<hbm>> -> memref<32768xf32, #tpu.memory_space<hbm>>
      tpu.enqueue_dma source(%dma_start3A_19 : memref<32768xf32, #tpu.memory_space<hbm>>) target(%arg4 : memref<32768xf32, #tpu.memory_space<vmem>>) target_semaphore(%run_scoped3A : memref<!tpu.dma_semaphore, #tpu.memory_space<semaphore_mem>>)
      %dma_wait3A = tpu.memref_slice %arg2[%mul3A_2] : memref<1048576xf32, #tpu.memory_space<hbm>> -> memref<32768xf32, #tpu.memory_space<hbm>>
      %dma_wait3A_20 = tpu.memref_slice %arg2[%mul3A_2] : memref<1048576xf32, #tpu.memory_space<hbm>> -> memref<32768xf32, #tpu.memory_space<hbm>>
      tpu.wait_dma2 semaphore(%run_scoped3A : memref<!tpu.dma_semaphore, #tpu.memory_space<semaphore_mem>>) src(%dma_wait3A_20 : memref<32768xf32, #tpu.memory_space<hbm>>) dst(%arg4 : memref<32768xf32, #tpu.memory_space<vmem>>)
      tpu.yield
    }) : () -> ()
    %broadcast_in_dim3A = arith.constant 0.000000e+00 : f32
    %broadcast_in_dim3A_3 = vector.broadcast %broadcast_in_dim3A : f32 to vector<16xf32>
    %scan3A = arith.constant 0 : i32
    %scan3A_4 = arith.constant 0 : i32
    %scan3A_5 = arith.constant 1024 : i32
    %scan3A_6 = arith.addi %scan3A_4, %scan3A_5 : i32
    %scan3A_7 = arith.constant 8 : i32
    %scan3A_8 = scf.for %scan3A_19 = %scan3A_4 to %scan3A_6 step %scan3A_7 iter_args(%scan3A_20 = %scan3A) -> (i32)  : i32 {
      %mul3A_21 = arith.constant 16 : i32
      %mul3A_22 = arith.muli %scan3A_19, %mul3A_21 : i32
      %swap3A = arith.index_cast %mul3A_22 : i32 to index
      %swap3A_23 = tpu.vector_load %arg5[%swap3A] {strides = array<i32>} : memref<16384xf32, #tpu.memory_space<vmem>>, vector<16xf32>,
      tpu.vector_store %arg5[%swap3A], %broadcast_in_dim3A_3 {strides = array<i32>} : memref<16384xf32, #tpu.memory_space<vmem>>, vector<16xf32>,
      %scan3A_24 = arith.constant 0 : i32
      %scan3A_25 = arith.constant 1 : i32
      %scan3A_26 = arith.addi %scan3A_19, %scan3A_25 : i32
      %mul3A_27 = arith.constant 16 : i32
      %mul3A_28 = arith.muli %scan3A_26, %mul3A_27 : i32
      %swap3A_29 = arith.index_cast %mul3A_28 : i32 to index
      %swap3A_30 = tpu.vector_load %arg5[%swap3A_29] {strides = array<i32>} : memref<16384xf32, #tpu.memory_space<vmem>>, vector<16xf32>,
      tpu.vector_store %arg5[%swap3A_29], %broadcast_in_dim3A_3 {strides = array<i32>} : memref<16384xf32, #tpu.memory_space<vmem>>, vector<16xf32>,
      %scan3A_31 = arith.constant 0 : i32
      %scan3A_32 = arith.constant 2 : i32
      %scan3A_33 = arith.addi %scan3A_19, %scan3A_32 : i32
      %mul3A_34 = arith.constant 16 : i32
      %mul3A_35 = arith.muli %scan3A_33, %mul3A_34 : i32
      %swap3A_36 = arith.index_cast %mul3A_35 : i32 to index
      %swap3A_37 = tpu.vector_load %arg5[%swap3A_36] {strides = array<i32>} : memref<16384xf32, #tpu.memory_space<vmem>>, vector<16xf32>,
      tpu.vector_store %arg5[%swap3A_36], %broadcast_in_dim3A_3 {strides = array<i32>} : memref<16384xf32, #tpu.memory_space<vmem>>, vector<16xf32>,
      %scan3A_38 = arith.constant 0 : i32
      %scan3A_39 = arith.constant 3 : i32
      %scan3A_40 = arith.addi %scan3A_19, %scan3A_39 : i32
      %mul3A_41 = arith.constant 16 : i32
      %mul3A_42 = arith.muli %scan3A_40, %mul3A_41 : i32
      %swap3A_43 = arith.index_cast %mul3A_42 : i32 to index
      %swap3A_44 = tpu.vector_load %arg5[%swap3A_43] {strides = array<i32>} : memref<16384xf32, #tpu.memory_space<vmem>>, vector<16xf32>,
      tpu.vector_store %arg5[%swap3A_43], %broadcast_in_dim3A_3 {strides = array<i32>} : memref<16384xf32, #tpu.memory_space<vmem>>, vector<16xf32>,
      %scan3A_45 = arith.constant 0 : i32
      %scan3A_46 = arith.constant 4 : i32
      %scan3A_47 = arith.addi %scan3A_19, %scan3A_46 : i32
      %mul3A_48 = arith.constant 16 : i32
      %mul3A_49 = arith.muli %scan3A_47, %mul3A_48 : i32
      %swap3A_50 = arith.index_cast %mul3A_49 : i32 to index
      %swap3A_51 = tpu.vector_load %arg5[%swap3A_50] {strides = array<i32>} : memref<16384xf32, #tpu.memory_space<vmem>>, vector<16xf32>,
      tpu.vector_store %arg5[%swap3A_50], %broadcast_in_dim3A_3 {strides = array<i32>} : memref<16384xf32, #tpu.memory_space<vmem>>, vector<16xf32>,
      %scan3A_52 = arith.constant 0 : i32
      %scan3A_53 = arith.constant 5 : i32
      %scan3A_54 = arith.addi %scan3A_19, %scan3A_53 : i32
      %mul3A_55 = arith.constant 16 : i32
      %mul3A_56 = arith.muli %scan3A_54, %mul3A_55 : i32
      %swap3A_57 = arith.index_cast %mul3A_56 : i32 to index
      %swap3A_58 = tpu.vector_load %arg5[%swap3A_57] {strides = array<i32>} : memref<16384xf32, #tpu.memory_space<vmem>>, vector<16xf32>,
      tpu.vector_store %arg5[%swap3A_57], %broadcast_in_dim3A_3 {strides = array<i32>} : memref<16384xf32, #tpu.memory_space<vmem>>, vector<16xf32>,
      %scan3A_59 = arith.constant 0 : i32
      %scan3A_60 = arith.constant 6 : i32
      %scan3A_61 = arith.addi %scan3A_19, %scan3A_60 : i32
      %mul3A_62 = arith.constant 16 : i32
      %mul3A_63 = arith.muli %scan3A_61, %mul3A_62 : i32
      %swap3A_64 = arith.index_cast %mul3A_63 : i32 to index
      %swap3A_65 = tpu.vector_load %arg5[%swap3A_64] {strides = array<i32>} : memref<16384xf32, #tpu.memory_space<vmem>>, vector<16xf32>,
      tpu.vector_store %arg5[%swap3A_64], %broadcast_in_dim3A_3 {strides = array<i32>} : memref<16384xf32, #tpu.memory_space<vmem>>, vector<16xf32>,
      %scan3A_66 = arith.constant 0 : i32
      %scan3A_67 = arith.constant 7 : i32
      %scan3A_68 = arith.addi %scan3A_19, %scan3A_67 : i32
      %mul3A_69 = arith.constant 16 : i32
      %mul3A_70 = arith.muli %scan3A_68, %mul3A_69 : i32
      %swap3A_71 = arith.index_cast %mul3A_70 : i32 to index
      %swap3A_72 = tpu.vector_load %arg5[%swap3A_71] {strides = array<i32>} : memref<16384xf32, #tpu.memory_space<vmem>>, vector<16xf32>,
      tpu.vector_store %arg5[%swap3A_71], %broadcast_in_dim3A_3 {strides = array<i32>} : memref<16384xf32, #tpu.memory_space<vmem>>, vector<16xf32>,
      %scan3A_73 = arith.constant 0 : i32
      scf.yield %scan3A_73 : i32
    }
    %scan3A_9 = arith.constant 1024 : i32
    %iota3A = tpu.iota {dimensions = array<i32: 0>} : vector<16xi32>
    %broadcast_in_dim3A_10 = arith.constant 1.000000e+00 : f32
    %broadcast_in_dim3A_11 = vector.broadcast %broadcast_in_dim3A_10 : f32 to vector<16xf32>
    %scan3A_12 = arith.constant 0 : i32
    %scan3A_13 = arith.constant 0 : i32
    %scan3A_14 = arith.constant 2048 : i32
    %scan3A_15 = arith.addi %scan3A_13, %scan3A_14 : i32
    %scan3A_16 = arith.constant 8 : i32
    %scan3A_17 = scf.for %scan3A_19 = %scan3A_13 to %scan3A_15 step %scan3A_16 iter_args(%scan3A_20 = %scan3A_12) -> (i32)  : i32 {
      %mul3A_21 = arith.constant 16 : i32
      %mul3A_22 = arith.muli %scan3A_19, %mul3A_21 : i32
      %get3A = arith.index_cast %mul3A_22 : i32 to index
      %get3A_23 = tpu.vector_load %arg4[%get3A] {strides = array<i32>} : memref<32768xf32, #tpu.memory_space<vmem>>, vector<16xf32>,
      %mul3A_24 = arith.constant 1.024000e+03 : f32
      %mul3A_25 = vector.broadcast %mul3A_24 : f32 to vector<16xf32>
      %mul3A_26 = arith.mulf %get3A_23, %mul3A_25 : vector<16xf32>
      %convert_element_type3A = arith.fptosi %mul3A_26 : vector<16xf32> to vector<16xi32>
      %jit3A = arith.constant 0 : i32
      %jit3A_27 = arith.constant 1023 : i32
      %max3A = vector.broadcast %jit3A : i32 to vector<16xi32>
      %max3A_28 = arith.maxsi %max3A, %convert_element_type3A : vector<16xi32>
      %min3A = vector.broadcast %jit3A_27 : i32 to vector<16xi32>
      %min3A_29 = arith.minsi %min3A, %max3A_28 : vector<16xi32>
      %mul3A_30 = arith.constant 16 : i32
      %mul3A_31 = vector.broadcast %mul3A_30 : i32 to vector<16xi32>
      %mul3A_32 = arith.muli %min3A_29, %mul3A_31 : vector<16xi32>
      %add3A_33 = arith.addi %mul3A_32, %iota3A : vector<16xi32>
      tpu.vector_store_idx %arg5[%add3A_33], %broadcast_in_dim3A_11 {add = true} : memref<16384xf32, #tpu.memory_space<vmem>>[vector<16xi32>], vector<16xf32>,
      %scan3A_34 = arith.constant 0 : i32
      %scan3A_35 = arith.constant 1 : i32
      %scan3A_36 = arith.addi %scan3A_19, %scan3A_35 : i32
      %mul3A_37 = arith.constant 16 : i32
      %mul3A_38 = arith.muli %scan3A_36, %mul3A_37 : i32
      %get3A_39 = arith.index_cast %mul3A_38 : i32 to index
      %get3A_40 = tpu.vector_load %arg4[%get3A_39] {strides = array<i32>} : memref<32768xf32, #tpu.memory_space<vmem>>, vector<16xf32>,
      %mul3A_41 = arith.constant 1.024000e+03 : f32
      %mul3A_42 = vector.broadcast %mul3A_41 : f32 to vector<16xf32>
      %mul3A_43 = arith.mulf %get3A_40, %mul3A_42 : vector<16xf32>
      %convert_element_type3A_44 = arith.fptosi %mul3A_43 : vector<16xf32> to vector<16xi32>
      %jit3A_45 = arith.constant 0 : i32
      %jit3A_46 = arith.constant 1023 : i32
      %max3A_47 = vector.broadcast %jit3A_45 : i32 to vector<16xi32>
      %max3A_48 = arith.maxsi %max3A_47, %convert_element_type3A_44 : vector<16xi32>
      %min3A_49 = vector.broadcast %jit3A_46 : i32 to vector<16xi32>
      %min3A_50 = arith.minsi %min3A_49, %max3A_48 : vector<16xi32>
      %mul3A_51 = arith.constant 16 : i32
      %mul3A_52 = vector.broadcast %mul3A_51 : i32 to vector<16xi32>
      %mul3A_53 = arith.muli %min3A_50, %mul3A_52 : vector<16xi32>
      %add3A_54 = arith.addi %mul3A_53, %iota3A : vector<16xi32>
      tpu.vector_store_idx %arg5[%add3A_54], %broadcast_in_dim3A_11 {add = true} : memref<16384xf32, #tpu.memory_space<vmem>>[vector<16xi32>], vector<16xf32>,
      %scan3A_55 = arith.constant 0 : i32
      %scan3A_56 = arith.constant 2 : i32
      %scan3A_57 = arith.addi %scan3A_19, %scan3A_56 : i32
      %mul3A_58 = arith.constant 16 : i32
      %mul3A_59 = arith.muli %scan3A_57, %mul3A_58 : i32
      %get3A_60 = arith.index_cast %mul3A_59 : i32 to index
      %get3A_61 = tpu.vector_load %arg4[%get3A_60] {strides = array<i32>} : memref<32768xf32, #tpu.memory_space<vmem>>, vector<16xf32>,
      %mul3A_62 = arith.constant 1.024000e+03 : f32
      %mul3A_63 = vector.broadcast %mul3A_62 : f32 to vector<16xf32>
      %mul3A_64 = arith.mulf %get3A_61, %mul3A_63 : vector<16xf32>
      %convert_element_type3A_65 = arith.fptosi %mul3A_64 : vector<16xf32> to vector<16xi32>
      %jit3A_66 = arith.constant 0 : i32
      %jit3A_67 = arith.constant 1023 : i32
      %max3A_68 = vector.broadcast %jit3A_66 : i32 to vector<16xi32>
      %max3A_69 = arith.maxsi %max3A_68, %convert_element_type3A_65 : vector<16xi32>
      %min3A_70 = vector.broadcast %jit3A_67 : i32 to vector<16xi32>
      %min3A_71 = arith.minsi %min3A_70, %max3A_69 : vector<16xi32>
      %mul3A_72 = arith.constant 16 : i32
      %mul3A_73 = vector.broadcast %mul3A_72 : i32 to vector<16xi32>
      %mul3A_74 = arith.muli %min3A_71, %mul3A_73 : vector<16xi32>
      %add3A_75 = arith.addi %mul3A_74, %iota3A : vector<16xi32>
      tpu.vector_store_idx %arg5[%add3A_75], %broadcast_in_dim3A_11 {add = true} : memref<16384xf32, #tpu.memory_space<vmem>>[vector<16xi32>], vector<16xf32>,
      %scan3A_76 = arith.constant 0 : i32
      %scan3A_77 = arith.constant 3 : i32
      %scan3A_78 = arith.addi %scan3A_19, %scan3A_77 : i32
      %mul3A_79 = arith.constant 16 : i32
      %mul3A_80 = arith.muli %scan3A_78, %mul3A_79 : i32
      %get3A_81 = arith.index_cast %mul3A_80 : i32 to index
      %get3A_82 = tpu.vector_load %arg4[%get3A_81] {strides = array<i32>} : memref<32768xf32, #tpu.memory_space<vmem>>, vector<16xf32>,
      %mul3A_83 = arith.constant 1.024000e+03 : f32
      %mul3A_84 = vector.broadcast %mul3A_83 : f32 to vector<16xf32>
      %mul3A_85 = arith.mulf %get3A_82, %mul3A_84 : vector<16xf32>
      %convert_element_type3A_86 = arith.fptosi %mul3A_85 : vector<16xf32> to vector<16xi32>
      %jit3A_87 = arith.constant 0 : i32
      %jit3A_88 = arith.constant 1023 : i32
      %max3A_89 = vector.broadcast %jit3A_87 : i32 to vector<16xi32>
      %max3A_90 = arith.maxsi %max3A_89, %convert_element_type3A_86 : vector<16xi32>
      %min3A_91 = vector.broadcast %jit3A_88 : i32 to vector<16xi32>
      %min3A_92 = arith.minsi %min3A_91, %max3A_90 : vector<16xi32>
      %mul3A_93 = arith.constant 16 : i32
      %mul3A_94 = vector.broadcast %mul3A_93 : i32 to vector<16xi32>
      %mul3A_95 = arith.muli %min3A_92, %mul3A_94 : vector<16xi32>
      %add3A_96 = arith.addi %mul3A_95, %iota3A : vector<16xi32>
      tpu.vector_store_idx %arg5[%add3A_96], %broadcast_in_dim3A_11 {add = true} : memref<16384xf32, #tpu.memory_space<vmem>>[vector<16xi32>], vector<16xf32>,
      %scan3A_97 = arith.constant 0 : i32
      %scan3A_98 = arith.constant 4 : i32
      %scan3A_99 = arith.addi %scan3A_19, %scan3A_98 : i32
      %mul3A_100 = arith.constant 16 : i32
      %mul3A_101 = arith.muli %scan3A_99, %mul3A_100 : i32
      %get3A_102 = arith.index_cast %mul3A_101 : i32 to index
      %get3A_103 = tpu.vector_load %arg4[%get3A_102] {strides = array<i32>} : memref<32768xf32, #tpu.memory_space<vmem>>, vector<16xf32>,
      %mul3A_104 = arith.constant 1.024000e+03 : f32
      %mul3A_105 = vector.broadcast %mul3A_104 : f32 to vector<16xf32>
      %mul3A_106 = arith.mulf %get3A_103, %mul3A_105 : vector<16xf32>
      %convert_element_type3A_107 = arith.fptosi %mul3A_106 : vector<16xf32> to vector<16xi32>
      %jit3A_108 = arith.constant 0 : i32
      %jit3A_109 = arith.constant 1023 : i32
      %max3A_110 = vector.broadcast %jit3A_108 : i32 to vector<16xi32>
      %max3A_111 = arith.maxsi %max3A_110, %convert_element_type3A_107 : vector<16xi32>
      %min3A_112 = vector.broadcast %jit3A_109 : i32 to vector<16xi32>
      %min3A_113 = arith.minsi %min3A_112, %max3A_111 : vector<16xi32>
      %mul3A_114 = arith.constant 16 : i32
      %mul3A_115 = vector.broadcast %mul3A_114 : i32 to vector<16xi32>
      %mul3A_116 = arith.muli %min3A_113, %mul3A_115 : vector<16xi32>
      %add3A_117 = arith.addi %mul3A_116, %iota3A : vector<16xi32>
      tpu.vector_store_idx %arg5[%add3A_117], %broadcast_in_dim3A_11 {add = true} : memref<16384xf32, #tpu.memory_space<vmem>>[vector<16xi32>], vector<16xf32>,
      %scan3A_118 = arith.constant 0 : i32
      %scan3A_119 = arith.constant 5 : i32
      %scan3A_120 = arith.addi %scan3A_19, %scan3A_119 : i32
      %mul3A_121 = arith.constant 16 : i32
      %mul3A_122 = arith.muli %scan3A_120, %mul3A_121 : i32
      %get3A_123 = arith.index_cast %mul3A_122 : i32 to index
      %get3A_124 = tpu.vector_load %arg4[%get3A_123] {strides = array<i32>} : memref<32768xf32, #tpu.memory_space<vmem>>, vector<16xf32>,
      %mul3A_125 = arith.constant 1.024000e+03 : f32
      %mul3A_126 = vector.broadcast %mul3A_125 : f32 to vector<16xf32>
      %mul3A_127 = arith.mulf %get3A_124, %mul3A_126 : vector<16xf32>
      %convert_element_type3A_128 = arith.fptosi %mul3A_127 : vector<16xf32> to vector<16xi32>
      %jit3A_129 = arith.constant 0 : i32
      %jit3A_130 = arith.constant 1023 : i32
      %max3A_131 = vector.broadcast %jit3A_129 : i32 to vector<16xi32>
      %max3A_132 = arith.maxsi %max3A_131, %convert_element_type3A_128 : vector<16xi32>
      %min3A_133 = vector.broadcast %jit3A_130 : i32 to vector<16xi32>
      %min3A_134 = arith.minsi %min3A_133, %max3A_132 : vector<16xi32>
      %mul3A_135 = arith.constant 16 : i32
      %mul3A_136 = vector.broadcast %mul3A_135 : i32 to vector<16xi32>
      %mul3A_137 = arith.muli %min3A_134, %mul3A_136 : vector<16xi32>
      %add3A_138 = arith.addi %mul3A_137, %iota3A : vector<16xi32>
      tpu.vector_store_idx %arg5[%add3A_138], %broadcast_in_dim3A_11 {add = true} : memref<16384xf32, #tpu.memory_space<vmem>>[vector<16xi32>], vector<16xf32>,
      %scan3A_139 = arith.constant 0 : i32
      %scan3A_140 = arith.constant 6 : i32
      %scan3A_141 = arith.addi %scan3A_19, %scan3A_140 : i32
      %mul3A_142 = arith.constant 16 : i32
      %mul3A_143 = arith.muli %scan3A_141, %mul3A_142 : i32
      %get3A_144 = arith.index_cast %mul3A_143 : i32 to index
      %get3A_145 = tpu.vector_load %arg4[%get3A_144] {strides = array<i32>} : memref<32768xf32, #tpu.memory_space<vmem>>, vector<16xf32>,
      %mul3A_146 = arith.constant 1.024000e+03 : f32
      %mul3A_147 = vector.broadcast %mul3A_146 : f32 to vector<16xf32>
      %mul3A_148 = arith.mulf %get3A_145, %mul3A_147 : vector<16xf32>
      %convert_element_type3A_149 = arith.fptosi %mul3A_148 : vector<16xf32> to vector<16xi32>
      %jit3A_150 = arith.constant 0 : i32
      %jit3A_151 = arith.constant 1023 : i32
      %max3A_152 = vector.broadcast %jit3A_150 : i32 to vector<16xi32>
      %max3A_153 = arith.maxsi %max3A_152, %convert_element_type3A_149 : vector<16xi32>
      %min3A_154 = vector.broadcast %jit3A_151 : i32 to vector<16xi32>
      %min3A_155 = arith.minsi %min3A_154, %max3A_153 : vector<16xi32>
      %mul3A_156 = arith.constant 16 : i32
      %mul3A_157 = vector.broadcast %mul3A_156 : i32 to vector<16xi32>
      %mul3A_158 = arith.muli %min3A_155, %mul3A_157 : vector<16xi32>
      %add3A_159 = arith.addi %mul3A_158, %iota3A : vector<16xi32>
      tpu.vector_store_idx %arg5[%add3A_159], %broadcast_in_dim3A_11 {add = true} : memref<16384xf32, #tpu.memory_space<vmem>>[vector<16xi32>], vector<16xf32>,
      %scan3A_160 = arith.constant 0 : i32
      %scan3A_161 = arith.constant 7 : i32
      %scan3A_162 = arith.addi %scan3A_19, %scan3A_161 : i32
      %mul3A_163 = arith.constant 16 : i32
      %mul3A_164 = arith.muli %scan3A_162, %mul3A_163 : i32
      %get3A_165 = arith.index_cast %mul3A_164 : i32 to index
      %get3A_166 = tpu.vector_load %arg4[%get3A_165] {strides = array<i32>} : memref<32768xf32, #tpu.memory_space<vmem>>, vector<16xf32>,
      %mul3A_167 = arith.constant 1.024000e+03 : f32
      %mul3A_168 = vector.broadcast %mul3A_167 : f32 to vector<16xf32>
      %mul3A_169 = arith.mulf %get3A_166, %mul3A_168 : vector<16xf32>
      %convert_element_type3A_170 = arith.fptosi %mul3A_169 : vector<16xf32> to vector<16xi32>
      %jit3A_171 = arith.constant 0 : i32
      %jit3A_172 = arith.constant 1023 : i32
      %max3A_173 = vector.broadcast %jit3A_171 : i32 to vector<16xi32>
      %max3A_174 = arith.maxsi %max3A_173, %convert_element_type3A_170 : vector<16xi32>
      %min3A_175 = vector.broadcast %jit3A_172 : i32 to vector<16xi32>
      %min3A_176 = arith.minsi %min3A_175, %max3A_174 : vector<16xi32>
      %mul3A_177 = arith.constant 16 : i32
      %mul3A_178 = vector.broadcast %mul3A_177 : i32 to vector<16xi32>
      %mul3A_179 = arith.muli %min3A_176, %mul3A_178 : vector<16xi32>
      %add3A_180 = arith.addi %mul3A_179, %iota3A : vector<16xi32>
      tpu.vector_store_idx %arg5[%add3A_180], %broadcast_in_dim3A_11 {add = true} : memref<16384xf32, #tpu.memory_space<vmem>>[vector<16xi32>], vector<16xf32>,
      %scan3A_181 = arith.constant 0 : i32
      scf.yield %scan3A_181 : i32
    }
    %scan3A_18 = arith.constant 2048 : i32
    "tpu.region"() ({
      %run_scoped3A = tpu.sem_alloc : memref<!tpu.dma_semaphore, #tpu.memory_space<semaphore_mem>>
      %dma_start3A = arith.constant 0 : i32
      %dma_start3A_19 = tpu.memref_slice %arg3[%add3A, %dma_start3A] : memref<32x16384xf32, #tpu.memory_space<hbm>> -> memref<1x16384xf32, #tpu.memory_space<hbm>>
      %dma_start3A_20 = tpu.memref_squeeze %dma_start3A_19 : memref<1x16384xf32, #tpu.memory_space<hbm>> -> memref<16384xf32, #tpu.memory_space<hbm>>
      %dma_start3A_21 = arith.constant 0 : i32
      %dma_start3A_22 = tpu.memref_slice %arg3[%add3A, %dma_start3A_21] : memref<32x16384xf32, #tpu.memory_space<hbm>> -> memref<1x16384xf32, #tpu.memory_space<hbm>>
      %dma_start3A_23 = tpu.memref_squeeze %dma_start3A_22 : memref<1x16384xf32, #tpu.memory_space<hbm>> -> memref<16384xf32, #tpu.memory_space<hbm>>
      tpu.enqueue_dma source(%arg5 : memref<16384xf32, #tpu.memory_space<vmem>>) target(%dma_start3A_23 : memref<16384xf32, #tpu.memory_space<hbm>>) target_semaphore(%run_scoped3A : memref<!tpu.dma_semaphore, #tpu.memory_space<semaphore_mem>>)
      %dma_wait3A = arith.constant 0 : i32
      %dma_wait3A_24 = tpu.memref_slice %arg3[%add3A, %dma_wait3A] : memref<32x16384xf32, #tpu.memory_space<hbm>> -> memref<1x16384xf32, #tpu.memory_space<hbm>>
      %dma_wait3A_25 = tpu.memref_squeeze %dma_wait3A_24 : memref<1x16384xf32, #tpu.memory_space<hbm>> -> memref<16384xf32, #tpu.memory_space<hbm>>
      %dma_wait3A_26 = arith.constant 0 : i32
      %dma_wait3A_27 = tpu.memref_slice %arg3[%add3A, %dma_wait3A_26] : memref<32x16384xf32, #tpu.memory_space<hbm>> -> memref<1x16384xf32, #tpu.memory_space<hbm>>
      %dma_wait3A_28 = tpu.memref_squeeze %dma_wait3A_27 : memref<1x16384xf32, #tpu.memory_space<hbm>> -> memref<16384xf32, #tpu.memory_space<hbm>>
      tpu.wait_dma2 semaphore(%run_scoped3A : memref<!tpu.dma_semaphore, #tpu.memory_space<semaphore_mem>>) src(%arg5 : memref<16384xf32, #tpu.memory_space<vmem>>) dst(%dma_wait3A_28 : memref<16384xf32, #tpu.memory_space<hbm>>)
      tpu.yield
    }) : () -> ()
    return
  }
}

module attributes {stable_mosaic.version = 14 : i64} {
  func.func @_umean_body(%arg0: i32, %arg1: memref<16x131072xf32, #tpu.memory_space<vmem>>, %arg2: memref<131072xf32, #tpu.memory_space<vmem>>) attributes {dimension_semantics = [#tpu.dimension_semantics<arbitrary>], iteration_bounds = array<i64: 8>, scalar_prefetch = 0 : i64, scratch_operands = 0 : i64, tpu.core_type = #tpu.core_type<tc>, window_params = [{transform_indices = @transform_0, window_bounds = array<i64: 16, 131072>}, {transform_indices = @transform_1, window_bounds = array<i64: 131072>}]} {
    %get3A = arith.constant 0 : index
    %get3A_0 = arith.constant 0 : index
    %get3A_1 = vector.load %arg1[%get3A, %get3A_0] : memref<16x131072xf32, #tpu.memory_space<vmem>>, vector<16x131072xf32>
    %reduce_sum3A = arith.constant dense<0.000000e+00> : vector<131072xf32>
    %reduce_sum3A_2 = vector.multi_reduction <add>, %get3A_1, %reduce_sum3A [0] : vector<16x131072xf32> to vector<131072xf32>
    %mul3A = arith.constant 6.250000e-02 : f32
    %mul3A_3 = vector.broadcast %mul3A : f32 to vector<131072xf32>
    %mul3A_4 = arith.mulf %reduce_sum3A_2, %mul3A_3 : vector<131072xf32>
    %swap3A = arith.constant 0 : index
    %swap3A_5 = vector.load %arg2[%swap3A] : memref<131072xf32, #tpu.memory_space<vmem>>, vector<131072xf32>
    tpu.vector_store %arg2[%swap3A], %mul3A_4 {strides = array<i32>} : memref<131072xf32, #tpu.memory_space<vmem>>, vector<131072xf32>,
    return
  }
  func.func @transform_0(%arg0: i32) -> (i32, i32) {
    %c0_i32 = arith.constant 0 : i32
    %c0_i32_0 = arith.constant 0 : i32
    return %c0_i32, %arg0 : i32, i32
  }
  func.func @transform_1(%arg0: i32) -> i32 {
    %c0_i32 = arith.constant 0 : i32
    return %arg0 : i32
  }
}

module attributes {stable_mosaic.version = 14 : i64} {
  func.func @_emean_body(%arg0: i32, %arg1: memref<16x131072xf32, #tpu.memory_space<vmem>>, %arg2: memref<16x131072xf32, #tpu.memory_space<vmem>>, %arg3: memref<131072xf32, #tpu.memory_space<vmem>>) attributes {dimension_semantics = [#tpu.dimension_semantics<arbitrary>], iteration_bounds = array<i64: 8>, scalar_prefetch = 0 : i64, scratch_operands = 0 : i64, tpu.core_type = #tpu.core_type<tc>, window_params = [{transform_indices = @transform_0, window_bounds = array<i64: 16, 131072>}, {transform_indices = @transform_1, window_bounds = array<i64: 16, 131072>}, {transform_indices = @transform_2, window_bounds = array<i64: 131072>}]} {
    %get3A = arith.constant 0 : index
    %get3A_0 = arith.constant 0 : index
    %get3A_1 = vector.load %arg1[%get3A, %get3A_0] : memref<16x131072xf32, #tpu.memory_space<vmem>>, vector<16x131072xf32>
    %get3A_2 = arith.constant 0 : index
    %get3A_3 = arith.constant 0 : index
    %get3A_4 = vector.load %arg2[%get3A_2, %get3A_3] : memref<16x131072xf32, #tpu.memory_space<vmem>>, vector<16x131072xf32>
    %sub3A = arith.subf %get3A_1, %get3A_4 : vector<16x131072xf32>
    %abs3A = math.absf %sub3A : vector<16x131072xf32>
    %reduce_sum3A = arith.constant dense<0.000000e+00> : vector<131072xf32>
    %reduce_sum3A_5 = vector.multi_reduction <add>, %abs3A, %reduce_sum3A [0] : vector<16x131072xf32> to vector<131072xf32>
    %mul3A = arith.constant 6.250000e-02 : f32
    %mul3A_6 = vector.broadcast %mul3A : f32 to vector<131072xf32>
    %mul3A_7 = arith.mulf %reduce_sum3A_5, %mul3A_6 : vector<131072xf32>
    %swap3A = arith.constant 0 : index
    %swap3A_8 = vector.load %arg3[%swap3A] : memref<131072xf32, #tpu.memory_space<vmem>>, vector<131072xf32>
    tpu.vector_store %arg3[%swap3A], %mul3A_7 {strides = array<i32>} : memref<131072xf32, #tpu.memory_space<vmem>>, vector<131072xf32>,
    return
  }
  func.func @transform_0(%arg0: i32) -> (i32, i32) {
    %c0_i32 = arith.constant 0 : i32
    %c0_i32_0 = arith.constant 0 : i32
    return %c0_i32, %arg0 : i32, i32
  }
  func.func @transform_1(%arg0: i32) -> (i32, i32) {
    %c0_i32 = arith.constant 0 : i32
    %c0_i32_0 = arith.constant 0 : i32
    return %c0_i32, %arg0 : i32, i32
  }
  func.func @transform_2(%arg0: i32) -> i32 {
    %c0_i32 = arith.constant 0 : i32
    return %arg0 : i32
  }
}

</mosaic_0001>

<sc_bundles>
// kernel: kernel.6.cloned.1.call-start
scs
__scs_entry_jumppad:
0x0: {  	(pc) =	sbr.rel $0x88, $3  }
0x1: {  	(tag) =	ssettag $0x0;
	lr =	simm.s32 $0x1  }
0x2: {  	[smem:$0x3F9E] =	sst lr;
	_ =	strace $0xD0000000  }
0x3: {  	_ = 	snop  }
0x4: {  	_ = 	snop  }
0x5: {  	_ = 	snop  }
0x6: {  	_ = 	snop  }
0x7: {  	_ = 	snop  }
__scs_overlays_trampoline_lowered:
0x8: {  	[smem:$0x3FAD] =	sst s0  }
0x9: {  	[smem:$0x3FAE] =	sst s1  }
0xa: {  	[smem:$0x3FAF] =	sst s2  }
0xb: {  	[smem:$0x3FB0] =	sst s3  }
0xc: {  	[smem:$0x3FB1] =	sst s4  }
0xd: {  	[smem:$0x3FB2] =	sst s5  }
0xe: {  	[smem:$0x3FB3] =	sst s6  }
0xf: {  	[smem:$0x3FB4] =	sst s7  }
0x10: {  	[smem:$0x3FB5] =	sst s8  }
0x11: {  	[smem:$0x3FB6] =	sst s9;
	s0 =	simm.s32 @!p0 $0x0  }
0x12: {  	s1 =	sld [smem:$0x3F9C];
	s0 =	simm.s32 @p0 $0x1  }
0x13: {  	[smem:$0x3FB7] =	sst s0;
	s0 =	simm.s32 @!p1 $0x0  }
0x14: {  	s2 =	sld [smem:$0x3F9B];
	s0 =	simm.s32 @p1 $0x1  }
0x15: {  	[smem:$0x3FB8] =	sst s0;
	s0 =	simm.s32 @!p2 $0x0  }
0x16: {  	s3 =	sld [smem:$0x3FDB];
	s0 =	simm.s32 @p2 $0x1  }
0x17: {  	s4 =	simm.s32 $0x1BF5;
	[smem:$0x3FBA] =	sst s0  }
0x18: {  	s0 =	sld [smem:$0x3F9D];
	_ =	swait.ge [sflag:s4], $0x0  }
0x19: {  	s7 =	sld [smem:$0x3F9E]  }
0x1a: {  	s8 =	sadd.s32 $0xFFFFE003, lr  }
0x1b: {  	s9 =	sadd.s32 $0xFFFFFEF7, lr;
	s5 =	simm.s32 $0xFFFFFFFF;
	p2 =	slt.u32 s8, $0xFFFFF086  }
0x1c: {  	p1 =	slt.u32 s9, $0xF7A;
	s5 =	simm.s32 @!p2 $0x0  }
0x1d: {  	s5 =	simm.s32 @p1 $0x1;
	p0 =	seq.s32 s7, s2  }
0x1e: {  	s7 =	smul.u32 @!p0 $0xF7A, s2;
	p2 =	seq.s32 @!p0 s5, $0x0  }
0x1f: {  	s9 =	smul.u32 $0xF7A, s1;
	s8 =	simm.s32 @!p0 $0x1BF5;
	p2 =	por !p2, p0  }
0x20: {  	[sflag:s8] =	ssyncset.s32 @!p0 $0xFFFFF086;
	s6 =	sadd.s32 @!p0 s3, s7;
	s7 =	simm.s32 @!p0 $0x108  }
0x21: {  	s3 =	sadd.s32 s3, s9;
	s6 =	sadd.s32 @!p0 $0x88, s6;
	s7 =	simm.s32 @p2 $0x1082  }
0x22: {  	[simem:s7], [sflag:s8] =	dma.local @!p0 [hbm:s6], $0xF7A  }
0x23: {  	s9 =	sor.u32 $0xD0000000, s2;
	s6 =	simm.s32 $0x108;
	_ =	swait.ge @!p0 [sflag:s8], $0x0  }
0x24: {  	s3 =	sadd.s32 $0x88, s3;
	s6 =	simm.s32 @!p1 $0x1082;
	[sflag:s4] =	ssyncset.s32 $0xFFFFF086  }
0x25: {  	[simem:s6], [sflag:s4] =	dma.local [hbm:s3], $0xF7A  }
0x26: {  	[smem:$0x3F9E] =	sst s1;
	(tag) =	ssettag s2;
	_ =	strace s9  }
0x27: {  	s1 =	sld [smem:$0x3FAE]  }
0x28: {  	s2 =	sld [smem:$0x3FAF]  }
0x29: {  	s4 =	sld [smem:$0x3FB1]  }
0x2a: {  	p0 =	seq.s32 s5, $0x0;
	s5 =	sld [smem:$0x3FB2]  }
0x2b: {  	s6 =	sld [smem:$0x3FB3]  }
0x2c: {  	s7 =	sld [smem:$0x3FB4]  }
0x2d: {  	s3 =	simm.s32 $0x108;
	s8 =	sld [smem:$0x3FB5]  }
0x2e: {  	s3 =	simm.s32 @!p0 $0x1082;
	s9 =	sld [smem:$0x3FB6]  }
0x2f: {  	lr =	sadd.s32 s0, s3;
	s0 =	sld [smem:$0x3FAD]  }
0x30: {  	s3 =	sld [smem:$0x3FB0]  }
0x31: {  	[smem:$0x3FB9] =	sst s10  }
0x32: {  	s10 =	sld [smem:$0x3FB7];
	_ =	sdelay $0x3  }
0x33: {  	p0 =	seq.s32 s10, $0x1;
	s10 =	sld [smem:$0x3FB9];
	_ =	sdelay $0x3  }
0x34: {  	[smem:$0x3FB9] =	sst s10  }
0x35: {  	s10 =	sld [smem:$0x3FB8];
	_ =	sdelay $0x3  }
0x36: {  	p1 =	seq.s32 s10, $0x1;
	s10 =	sld [smem:$0x3FB9];
	_ =	sdelay $0x3  }
0x37: {  	[smem:$0x3FB9] =	sst s10  }
0x38: {  	s10 =	sld [smem:$0x3FBA]  }
0x39: {  	_ = 	snop;
	(pc) =	sbr.ind lr, $3  }
0x3a: {  	_ = 	snop  }
0x3b: {  	_ = 	snop  }
0x3c: {  	p2 =	seq.s32 s10, $0x1;
	s10 =	sld [smem:$0x3FB9]  }
0x3d: {  	_ =	shalt  }
0x3e: {  	_ =	shalt  }
0x3f: {  	_ =	shalt  }
0x40: {  	_ =	shalt  }
0x41: {  	_ =	shalt  }
0x42: {  	_ =	shalt  }
0x43: {  	_ =	shalt  }
0x44: {  	_ =	shalt  }
0x45: {  	_ =	shalt  }
0x46: {  	_ =	shalt  }
0x47: {  	_ =	shalt  }
0x48: {  	_ =	shalt  }
0x49: {  	_ =	shalt  }
0x4a: {  	_ =	shalt  }
0x4b: {  	_ =	shalt  }
0x4c: {  	_ =	shalt  }
0x4d: {  	_ =	shalt  }
0x4e: {  	_ =	shalt  }
0x4f: {  	_ =	shalt  }
0x50: {  	_ =	shalt  }
0x51: {  	_ =	shalt  }
0x52: {  	_ =	shalt  }
0x53: {  	_ =	shalt  }
0x54: {  	_ =	shalt  }
0x55: {  	_ =	shalt  }
0x56: {  	_ =	shalt  }
0x57: {  	_ =	shalt  }
0x58: {  	_ =	shalt  }
0x59: {  	_ =	shalt  }
0x5a: {  	_ =	shalt  }
0x5b: {  	_ =	shalt  }
0x5c: {  	_ =	shalt  }
0x5d: {  	_ =	shalt  }
0x5e: {  	_ =	shalt  }
0x5f: {  	_ =	shalt  }
0x60: {  	_ =	shalt  }
0x61: {  	_ =	shalt  }
0x62: {  	_ =	shalt  }
0x63: {  	_ =	shalt  }
0x64: {  	_ =	shalt  }
0x65: {  	_ =	shalt  }
0x66: {  	_ =	shalt  }
0x67: {  	_ =	shalt  }
0x68: {  	_ =	shalt  }
0x69: {  	_ =	shalt  }
0x6a: {  	_ =	shalt  }
0x6b: {  	_ =	shalt  }
0x6c: {  	_ =	shalt  }
0x6d: {  	_ =	shalt  }
0x6e: {  	_ =	shalt  }
0x6f: {  	_ =	shalt  }
0x70: {  	_ =	shalt  }
0x71: {  	_ =	shalt  }
0x72: {  	_ =	shalt  }
0x73: {  	_ =	shalt  }
0x74: {  	_ =	shalt  }
0x75: {  	_ =	shalt  }
0x76: {  	_ =	shalt  }
0x77: {  	_ =	shalt  }
0x78: {  	_ =	shalt  }
0x79: {  	_ =	shalt  }
0x7a: {  	_ =	shalt  }
0x7b: {  	_ =	shalt  }
0x7c: {  	_ =	shalt  }
0x7d: {  	_ =	shalt  }
0x7e: {  	_ =	shalt  }
0x7f: {  	_ =	shalt  }
0x80: {  	_ =	shalt  }
0x81: {  	_ =	shalt  }
0x82: {  	_ =	shalt  }
0x83: {  	_ =	shalt  }
0x84: {  	_ =	shalt  }
0x85: {  	_ =	shalt  }
0x86: {  	_ =	shalt  }
0x87: {  	_ =	shalt  }
.Lfunc_end0:
.L_simem_size_0:
called_computation_lowered:
.L_overlay_start_0:
0x88: {  	s2 =	sld [smem:$0x3FD9]  }
0x89: {  	s3 =	sld [smem:$0x3FFE];
	_ =	sdelay $0x1  }
0x8a: {  	s1 =	srdreg.scid  }
0x8b: {  	s0 =	sand.u32 $0x1, s1  }
0x8c: {  	s16 =	sshll.u32 s0, $0xA;
	s2 =	sadd.s32 s3, s2  }
0x8d: {  	s2 =	sadd.s32 s2, s16  }
0x8e: {  	[smem:$0x3FC5] =	sst s2  }
0x8f: {  	_ = 	snop  }
0x90: {  	(tm) =	ssettm $0x1  }
0x91: {  	s17 =	sld [smem:$0x3FFB];
	_ =	sdelay $0x3  }
0x92: {  	_ =	strace s17  }
0x93: {  	s2 =	sld [smem:$0x3FFC];
	_ =	sdelay $0x3  }
0x94: {  	_ =	strace s2  }
0x95: {  	s2 =	sld [smem:$0x3FFD];
	_ =	sdelay $0x3  }
0x96: {  	_ =	strace s2  }
0x97: {  	_ =	strace $0x8FFFFFFF  }
0x98: {  	s18 =	sld [smem:$0x3FDB];
	_ =	sdelay $0x1  }
0x99: {  	s19 =	simm.s32 $_scs_section_size  }
0x9a: {  	s4 =	simm.s32 $_size__tile_overlayer_lowered;
	s5 =	simm.s32 $_tile_overlayer_lowered  }
0x9b: {  	s22 =	simm.s32 $0x1BFF;
	s21 =	sshll.u32 s5, $0x1;
	s2 =	sadd.s32 s19, s18  }
0x9c: {  	s6 =	simm.s32 $0x0;
	s20 =	sshll.u32 s4, $0x1;
	s4 =	sadd.s32 s21, s2  }
0x9d: {  	[timem:s6], [sflag:s22] =	dma.local [hbm:s4], s20  }
0x9e: {  	_ =	swait.ge [sflag:s22], s20  }
0x9f: {  	s3 =	ssub.s32 $0x0, s20;
	[sflag:s22] =	ssyncset.done $0x0  }
0xa0: {  	[sflag:s22] =	ssyncadd.s32 s3;
	_ =	sdelay $0x1  }
0xa1: {  	s23 =	simm.s32 $0x1B8B  }
0xa2: {  	_ =	swait.ge [sflag:s23], $0x1  }
0xa3: {  	[sflag:s23] =	ssyncset.done $0x0  }
0xa4: {  	s25 =	simm.s32 $0x1B8E;
	s24 =	sld [smem:$0x3FFE];
	[sflag:s23] =	ssyncadd.s32 $0xFFFFFFFF  }
0xa5: {  	s26 =	simm.s32 $execute0_lowered;
	[smem:$0x3FD2] =	sst s25  }
0xa6: {  	s4 =	sshll.u32 s26, $0x1;
	_ =	strace $0x80000046;
	[dreg:$0x1] =	wrdreg $0xFFFFFFFF  }
0xa7: {  	s28 =	simm.s32 $_size_execute0_lowered;
	s2 =	sadd.s32 s2, s4;
	[dreg:$0x0] =	wrdreg $0x0  }
0xa8: {  	s4 =	sshll.u32 s28, $0x1;
	[dreg:$0x2] =	wrdreg s2  }
0xa9: {  	[dreg:$0x3] =	wrdreg s4  }
0xaa: {  	[dreg:$0x4] =	wrdreg $0xC0  }
0xab: {  	_ =	task [dreg:s6], $0x5FFFF  }
0xac: {  	[dreg:$0x1] =	wrdreg $0xFFFFFFFF  }
0xad: {  	[dreg:$0x0] =	wrdreg $0x60  }
0xae: {  	[dreg:$0x2] =	wrdreg s24  }
0xaf: {  	[dreg:$0x3] =	wrdreg $0x9  }
0xb0: {  	_ =	task.clear_ibuf [dreg:s6], $0x4FFFF;
	_ =	strace $0x90000046  }
0xb1: {  	s29 =	simm.s32 $0x9;
	_ =	strace $0x80000048  }
0xb2: {  	_ =	swait.ge [sflag:s29], $0x1  }
0xb3: {  	[sflag:s29] =	ssyncadd.s32 $0xFFFFFFFF  }
0xb4: {  	_ =	strace $0x90000048  }
0xb5: {  	_ =	sfence  }
0xb6: {  	s30 =	sld [smem:$0x0];
	_ =	sdelay $0x2  }
0xb7: {  	s31 =	sshll.u32 s1, $0xD;
	s1 =	sshrl.u32 s1, $0x2  }
0xb8: {  	s3 =	sand.u32 $0x4000, s31;
	s1 =	sadd.s32 s1, s30  }
0xb9: {  	s0 =	sor.u32 s3, s0;
	s1 =	sshll.u32 s1, $0x11  }
0xba: {  	s0 =	sor.u32 s1, s0  }
0xbb: {  	s0 =	sadd.s32 $0x8F2B, s0  }
0xbc: {  	[sflag:s0] =	ssyncadd.remote.s32 $0x1  }
0xbd: {  	_ =	sfence.sel $0xFFFF  }
0xbe: {  	[dreg:$0x0] =	wrdreg $0xFFFFFFFF;
	(pc) =	sbr.abs _section_cstart, $3  }
0xbf: {  	[dreg:$0x1] =	wrdreg $0xFFFFFFFF  }
0xc0: {  	_ =	task.clear_ibuf [dreg:s6], $0x2FFFF;
	_ =	strace $0x9FFFFFFF  }
0xc1: {  	(tm) =	ssettm $0x7FFFFFFF  }
tec
execute0_lowered:
.L_overlay_start_1:
0x0: {  	(tag) =	ssettag $0x1  }
0x1: {  	s3 =	rddreg [dreg:$0x0]  }
0x2: {  	s0 =	rddreg [dreg:$0x1]  }
0x3: {  	s1 =	stileid.u32;
	s4 =	srdreg.scid  }
0x4: {  	s2 =	simm.s32 $0x0;
	s9 =	simm.s32 $0x400;
	s10 =	simm.s32 $0x0  }
0x5: {  	s4 =	sand.u32 $0x1, s4;
	s5 =	sshll.u32 s1, $0x1;
	[smem:$0x7FF] =	sst s2  }
0x6: {  	s6 =	sshll.u32 s1, $0xC;
	s5 =	sor.u32 s4, s5;
	_ =	strace $0x80000047  }
0x7: {  	s6 =	sand.u32 $0xC000, s6;
	s4 =	ssub.s32 $0x2, s4;
	s7 =	sshll.u32 s5, $0x4  }
0x8: {  	s6 =	sadd.s32 s6, s3;
	s8 =	sshrl.u32 s4, $0x1;
	s5 =	sshll.u32 s5, $0xC  }
0x9: {  	s7 =	sand.u32 $0x70, s7;
	s31 =	ssub.s32 s4, s8;
	s3 =	sadd.s32 s3, s5  }
0xa: {  	s8 =	simm.s32 $0x80;
	s6 =	sadd.s32 s7, s6;
	s5 =	smax.u32 s31, $0x1  }
0xb: {  	v0 =	vimm.f32 $0.0e+00;
	v1 =	vlaneseq.u32;
	v2 =	vimm.f32 $1.000000000e+00;
	s7 =	simm.s32 $0x8000;
	s4 =	sadd.s32 $0x20000, s6;
	s6 =	simm.s32 $0x1  }
.LBB2_1:
0xc: {  	[tilespmem:s2], [sflag:$0x1] =	stream.linear.gather [hbm4b:s3+s2], $0x8000, $0x38;
	[tilespmem:$0xC000] =	vst v63  }
0xd: {  	_ =	swait.ge [sflag:s6], $0x8000  }
0xe: {  	[sflag:s6] =	ssyncset.done $0x0  }
0xf: {  	s13 =	simm.s32 $0x8040;
	[sflag:s6] =	ssyncadd.s32 $0xFFFF8000  }
0x10: {  	[tilespmem:s13+$0xFFFFFFC0] =	vst v0  }
0x11: {  	[tilespmem:s13+$0x30] =	vst v0  }
0x12: {  	[tilespmem:s13+$0x20] =	vst v0  }
0x13: {  	[tilespmem:s13+$0x10] =	vst v0  }
0x14: {  	[tilespmem:s13+$0x0] =	vst v0  }
0x15: {  	[tilespmem:s13+$0xFFFFFFF0] =	vst v0  }
0x16: {  	s11 =	simm.s32 $0xFFFFFFF8;
	s14 =	simm.s32 $0x0;
	[tilespmem:s13+$0xFFFFFFE0] =	vst v0  }
.LBB2_2:
0x17: {  	s14 =	sadd.s32 $0x8, s14;
	[tilespmem:s13+$0xFFFFFFD0] =	vst v0;
	s13 =	sadd.s32 $0x80, s13;
	s12 =	simm.s32 $0x40  }
0x18: {  	[tilespmem:s13+$0xFFFFFFC0] =	vst v0;
	p0 =	slt.u32 s14, $0x3F8  }
0x19: {  	[tilespmem:s13+$0x30] =	vst v0  }
.Ltmp0:
0x1a: {  	[tilespmem:s13+$0x20] =	vst v0;
	(pc) =	sbr.rel @p0 .LBB2_2-.Ltmp0, $4  }
0x1b: {  	[tilespmem:s13+$0x10] =	vst v0  }
0x1c: {  	[tilespmem:s13+$0x0] =	vst v0  }
0x1d: {  	[tilespmem:s13+$0xFFFFFFF0] =	vst v0  }
0x1e: {  	[tilespmem:s13+$0xFFFFFFE0] =	vst v0  }
0x1f: {  	[tilespmem:s13+$0xFFFFFFD0] =	vst v0  }
.LBB2_4:
0x20: {  	v3 =	vld [tilespmem:s12+$0xFFFFFFC0];
	_ =	sdelay $0x4  }
0x21: {  	v3 =	vmul.f32 $1.024000000e+03, v3;
	_ =	sdelay $0x1  }
0x22: {  	v3 =	vtrunc.f32 v3  }
0x23: {  	v3 =	vcvt.f32.s32 v3;
	_ =	sdelay $0x1  }
0x24: {  	vm0 =	vgt.s32 v3, $0x0  }
0x25: {  	v3 =	vnsel vm0, $0x0, v3  }
0x26: {  	v3 =	vmin.u32 v3, $0x3FF  }
0x27: {  	v3 =	vshll.u32 v3, $0x4  }
0x28: {  	v3 =	vor.u32 v1, v3;
	_ =	sdelay $0x4  }
0x29: {  	[tilespmem:v3+s7+$0x0] =	vst.idx.add.f32.msk $0xffff, v2  }
0x2a: {  	v3 =	vld [tilespmem:s12+$0xFFFFFFD0];
	_ =	sdelay $0x4  }
0x2b: {  	v3 =	vmul.f32 $1.024000000e+03, v3;
	_ =	sdelay $0x1  }
0x2c: {  	v3 =	vtrunc.f32 v3  }
0x2d: {  	v3 =	vcvt.f32.s32 v3;
	_ =	sdelay $0x1  }
0x2e: {  	vm9 =	vgt.s32 v3, $0x0  }
0x2f: {  	v3 =	vnsel vm9, $0x0, v3  }
0x30: {  	v3 =	vmin.u32 v3, $0x3FF  }
0x31: {  	v3 =	vshll.u32 v3, $0x4  }
0x32: {  	v3 =	vor.u32 v1, v3;
	_ =	sdelay $0x4  }
0x33: {  	[tilespmem:v3+s7+$0x0] =	vst.idx.add.f32.msk $0xffff, v2  }
0x34: {  	v3 =	vld [tilespmem:s12+$0xFFFFFFE0];
	_ =	sdelay $0x4  }
0x35: {  	v3 =	vmul.f32 $1.024000000e+03, v3;
	_ =	sdelay $0x1  }
0x36: {  	v3 =	vtrunc.f32 v3  }
0x37: {  	v3 =	vcvt.f32.s32 v3;
	_ =	sdelay $0x1  }
0x38: {  	vm10 =	vgt.s32 v3, $0x0  }
0x39: {  	v3 =	vnsel vm10, $0x0, v3  }
0x3a: {  	v3 =	vmin.u32 v3, $0x3FF  }
0x3b: {  	v3 =	vshll.u32 v3, $0x4  }
0x3c: {  	v3 =	vor.u32 v1, v3;
	_ =	sdelay $0x4  }
0x3d: {  	[tilespmem:v3+s7+$0x0] =	vst.idx.add.f32.msk $0xffff, v2  }
0x3e: {  	v3 =	vld [tilespmem:s12+$0xFFFFFFF0];
	_ =	sdelay $0x4  }
0x3f: {  	v3 =	vmul.f32 $1.024000000e+03, v3;
	_ =	sdelay $0x1  }
0x40: {  	v3 =	vtrunc.f32 v3  }
0x41: {  	v3 =	vcvt.f32.s32 v3;
	_ =	sdelay $0x1  }
0x42: {  	vm11 =	vgt.s32 v3, $0x0  }
0x43: {  	v3 =	vnsel vm11, $0x0, v3  }
0x44: {  	v3 =	vmin.u32 v3, $0x3FF  }
0x45: {  	v3 =	vshll.u32 v3, $0x4  }
0x46: {  	v3 =	vor.u32 v1, v3;
	_ =	sdelay $0x4  }
0x47: {  	[tilespmem:v3+s7+$0x0] =	vst.idx.add.f32.msk $0xffff, v2  }
0x48: {  	v3 =	vld [tilespmem:s12+$0x0];
	_ =	sdelay $0x4  }
0x49: {  	v3 =	vmul.f32 $1.024000000e+03, v3;
	_ =	sdelay $0x1  }
0x4a: {  	v3 =	vtrunc.f32 v3  }
0x4b: {  	v3 =	vcvt.f32.s32 v3;
	_ =	sdelay $0x1  }
0x4c: {  	vm12 =	vgt.s32 v3, $0x0  }
0x4d: {  	v3 =	vnsel vm12, $0x0, v3  }
0x4e: {  	v3 =	vmin.u32 v3, $0x3FF  }
0x4f: {  	v3 =	vshll.u32 v3, $0x4  }
0x50: {  	v3 =	vor.u32 v1, v3;
	_ =	sdelay $0x4  }
0x51: {  	[tilespmem:v3+s7+$0x0] =	vst.idx.add.f32.msk $0xffff, v2  }
0x52: {  	v3 =	vld [tilespmem:s12+$0x10];
	_ =	sdelay $0x4  }
0x53: {  	v3 =	vmul.f32 $1.024000000e+03, v3;
	_ =	sdelay $0x1  }
0x54: {  	v3 =	vtrunc.f32 v3  }
0x55: {  	v3 =	vcvt.f32.s32 v3;
	_ =	sdelay $0x1  }
0x56: {  	vm13 =	vgt.s32 v3, $0x0  }
0x57: {  	v3 =	vnsel vm13, $0x0, v3  }
0x58: {  	v3 =	vmin.u32 v3, $0x3FF  }
0x59: {  	v3 =	vshll.u32 v3, $0x4  }
0x5a: {  	v3 =	vor.u32 v1, v3;
	_ =	sdelay $0x4  }
0x5b: {  	[tilespmem:v3+s7+$0x0] =	vst.idx.add.f32.msk $0xffff, v2  }
0x5c: {  	v3 =	vld [tilespmem:s12+$0x20];
	_ =	sdelay $0x4  }
0x5d: {  	v3 =	vmul.f32 $1.024000000e+03, v3;
	_ =	sdelay $0x1  }
0x5e: {  	v3 =	vtrunc.f32 v3  }
0x5f: {  	v3 =	vcvt.f32.s32 v3;
	_ =	sdelay $0x1  }
0x60: {  	vm14 =	vgt.s32 v3, $0x0  }
0x61: {  	v3 =	vnsel vm14, $0x0, v3  }
0x62: {  	v3 =	vmin.u32 v3, $0x3FF  }
0x63: {  	v3 =	vshll.u32 v3, $0x4  }
0x64: {  	v3 =	vor.u32 v1, v3;
	_ =	sdelay $0x4  }
0x65: {  	[tilespmem:v3+s7+$0x0] =	vst.idx.add.f32.msk $0xffff, v2  }
0x66: {  	v3 =	vld [tilespmem:s12+$0x30];
	_ =	sdelay $0x4  }
0x67: {  	v3 =	vmul.f32 $1.024000000e+03, v3;
	_ =	sdelay $0x1  }
0x68: {  	v3 =	vtrunc.f32 v3  }
0x69: {  	v3 =	vcvt.f32.s32 v3;
	_ =	sdelay $0x1  }
0x6a: {  	vm15 =	vgt.s32 v3, $0x0  }
0x6b: {  	v3 =	vnsel vm15, $0x0, v3  }
0x6c: {  	v3 =	vmin.u32 v3, $0x3FF  }
0x6d: {  	s11 =	sadd.s32 $0x8, s11;
	v3 =	vshll.u32 v3, $0x4  }
0x6e: {  	p0 =	slt.u32 s11, $0x7F8;
	v3 =	vor.u32 v1, v3  }
.Ltmp1:
0x6f: {  	_ = 	snop;
	(pc) =	sbr.rel @p0 .LBB2_4-.Ltmp1, $2  }
0x70: {  	_ =	sdelay $0x2  }
0x71: {  	s12 =	sadd.s32 $0x80, s12;
	[tilespmem:v3+s7+$0x0] =	vst.idx.add.f32.msk $0xffff, v2  }
0x72: {  	s10 =	sadd.s32 $0x1, s10  }
0x73: {  	p0 =	sne.s32 s10, s5  }
.Ltmp2:
0x74: {  	_ = 	snop;
	(pc) =	sbr.rel @p0 .LBB2_1-.Ltmp2, $4  }
0x75: {  	[hbm4b:s4+s8] =	stream.strided.scatter [tilespmem:s7], [sflag:$0x1], $0x4000, s9, s8, $0x38;
	[tilespmem:$0xC000] =	vst v63  }
0x76: {  	_ =	swait.ge [sflag:s6], $0x4000  }
0x77: {  	[sflag:s6] =	ssyncset.done $0x0  }
0x78: {  	[sflag:s6] =	ssyncadd.s32 $0xFFFFC000  }
0x79: {  	_ =	sfence.sel $0x180000  }
0x7a: {  	[bflag:$0x0] =	sbarrier.arrive $0xFFFF  }
0x7b: {  	p0 =	sne.s32 s1, $0x0;
	_ =	strace $0x90000047  }
0x7c: {  	s0 =	sadd.s32 @!p0 $0x100000, s0;
	[bflag:$0x2] =	sbarrier.arrive $0xFFFF  }
0x7d: {  	[sflag:s0] =	ssyncadd.tile.s32 @!p0 $0x1;
	_ =	shalt  }
.Lfunc_end2:
_tile_overlayer_lowered:
.L_overlay_start_2:
0x7e: {  	(tag) =	ssettag $0x2  }
0x7f: {  	s0 =	rddreg [dreg:$0x0];
	s2 =	stileid.u32  }
0x80: {  	s1 =	rddreg [dreg:$0x1];
	p0 =	sne.s32 s2, $0x0  }
0x81: {  	s3 =	rddreg [dreg:$0x2];
	[bflag:$0x3] =	sbarrier.arrive $0xFFFF;
	s2 =	simm.s32 @!p0 $0x1C01  }
0x82: {  	[timem:s3], [sflag:s2] =	dma.local @!p0 [hbm:s0], s1  }
0x83: {  	s0 =	simm.s32 @!p0 $0x1  }
0x84: {  	_ =	swait.ge @!p0 [sflag:s0], s1  }
0x85: {  	s1 =	ssub.s32 @!p0 $0x0, s1;
	[sflag:s0] =	ssyncset.done @!p0 $0x0  }
0x86: {  	[sflag:s0] =	ssyncadd.s32 @!p0 s1  }
0x87: {  	[bflag:$0x3] =	sbarrier.arrive $0xFFFF  }
0x88: {  	_ =	shalt  }

// kernel: kernel.9.cloned.1.call-start
scs
__scs_entry_jumppad:
0x0: {  	(pc) =	sbr.rel $0x88, $3  }
0x1: {  	(tag) =	ssettag $0x0;
	lr =	simm.s32 $0x1  }
0x2: {  	[smem:$0x3F9E] =	sst lr;
	_ =	strace $0xD0000000  }
0x3: {  	_ = 	snop  }
0x4: {  	_ = 	snop  }
0x5: {  	_ = 	snop  }
0x6: {  	_ = 	snop  }
0x7: {  	_ = 	snop  }
__scs_overlays_trampoline_lowered:
0x8: {  	[smem:$0x3FAD] =	sst s0  }
0x9: {  	[smem:$0x3FAE] =	sst s1  }
0xa: {  	[smem:$0x3FAF] =	sst s2  }
0xb: {  	[smem:$0x3FB0] =	sst s3  }
0xc: {  	[smem:$0x3FB1] =	sst s4  }
0xd: {  	[smem:$0x3FB2] =	sst s5  }
0xe: {  	[smem:$0x3FB3] =	sst s6  }
0xf: {  	[smem:$0x3FB4] =	sst s7  }
0x10: {  	[smem:$0x3FB5] =	sst s8  }
0x11: {  	[smem:$0x3FB6] =	sst s9;
	s0 =	simm.s32 @!p0 $0x0  }
0x12: {  	s1 =	sld [smem:$0x3F9C];
	s0 =	simm.s32 @p0 $0x1  }
0x13: {  	[smem:$0x3FB7] =	sst s0;
	s0 =	simm.s32 @!p1 $0x0  }
0x14: {  	s2 =	sld [smem:$0x3F9B];
	s0 =	simm.s32 @p1 $0x1  }
0x15: {  	[smem:$0x3FB8] =	sst s0;
	s0 =	simm.s32 @!p2 $0x0  }
0x16: {  	s3 =	sld [smem:$0x3FDB];
	s0 =	simm.s32 @p2 $0x1  }
0x17: {  	s4 =	simm.s32 $0x1BF5;
	[smem:$0x3FBA] =	sst s0  }
0x18: {  	s0 =	sld [smem:$0x3F9D];
	_ =	swait.ge [sflag:s4], $0x0  }
0x19: {  	s7 =	sld [smem:$0x3F9E]  }
0x1a: {  	s8 =	sadd.s32 $0xFFFFE003, lr  }
0x1b: {  	s9 =	sadd.s32 $0xFFFFFEF7, lr;
	s5 =	simm.s32 $0xFFFFFFFF;
	p2 =	slt.u32 s8, $0xFFFFF086  }
0x1c: {  	p1 =	slt.u32 s9, $0xF7A;
	s5 =	simm.s32 @!p2 $0x0  }
0x1d: {  	s5 =	simm.s32 @p1 $0x1;
	p0 =	seq.s32 s7, s2  }
0x1e: {  	s7 =	smul.u32 @!p0 $0xF7A, s2;
	p2 =	seq.s32 @!p0 s5, $0x0  }
0x1f: {  	s9 =	smul.u32 $0xF7A, s1;
	s8 =	simm.s32 @!p0 $0x1BF5;
	p2 =	por !p2, p0  }
0x20: {  	[sflag:s8] =	ssyncset.s32 @!p0 $0xFFFFF086;
	s6 =	sadd.s32 @!p0 s3, s7;
	s7 =	simm.s32 @!p0 $0x108  }
0x21: {  	s3 =	sadd.s32 s3, s9;
	s6 =	sadd.s32 @!p0 $0x88, s6;
	s7 =	simm.s32 @p2 $0x1082  }
0x22: {  	[simem:s7], [sflag:s8] =	dma.local @!p0 [hbm:s6], $0xF7A  }
0x23: {  	s9 =	sor.u32 $0xD0000000, s2;
	s6 =	simm.s32 $0x108;
	_ =	swait.ge @!p0 [sflag:s8], $0x0  }
0x24: {  	s3 =	sadd.s32 $0x88, s3;
	s6 =	simm.s32 @!p1 $0x1082;
	[sflag:s4] =	ssyncset.s32 $0xFFFFF086  }
0x25: {  	[simem:s6], [sflag:s4] =	dma.local [hbm:s3], $0xF7A  }
0x26: {  	[smem:$0x3F9E] =	sst s1;
	(tag) =	ssettag s2;
	_ =	strace s9  }
0x27: {  	s1 =	sld [smem:$0x3FAE]  }
0x28: {  	s2 =	sld [smem:$0x3FAF]  }
0x29: {  	s4 =	sld [smem:$0x3FB1]  }
0x2a: {  	p0 =	seq.s32 s5, $0x0;
	s5 =	sld [smem:$0x3FB2]  }
0x2b: {  	s6 =	sld [smem:$0x3FB3]  }
0x2c: {  	s7 =	sld [smem:$0x3FB4]  }
0x2d: {  	s3 =	simm.s32 $0x108;
	s8 =	sld [smem:$0x3FB5]  }
0x2e: {  	s3 =	simm.s32 @!p0 $0x1082;
	s9 =	sld [smem:$0x3FB6]  }
0x2f: {  	lr =	sadd.s32 s0, s3;
	s0 =	sld [smem:$0x3FAD]  }
0x30: {  	s3 =	sld [smem:$0x3FB0]  }
0x31: {  	[smem:$0x3FB9] =	sst s10  }
0x32: {  	s10 =	sld [smem:$0x3FB7];
	_ =	sdelay $0x3  }
0x33: {  	p0 =	seq.s32 s10, $0x1;
	s10 =	sld [smem:$0x3FB9];
	_ =	sdelay $0x3  }
0x34: {  	[smem:$0x3FB9] =	sst s10  }
0x35: {  	s10 =	sld [smem:$0x3FB8];
	_ =	sdelay $0x3  }
0x36: {  	p1 =	seq.s32 s10, $0x1;
	s10 =	sld [smem:$0x3FB9];
	_ =	sdelay $0x3  }
0x37: {  	[smem:$0x3FB9] =	sst s10  }
0x38: {  	s10 =	sld [smem:$0x3FBA]  }
0x39: {  	_ = 	snop;
	(pc) =	sbr.ind lr, $3  }
0x3a: {  	_ = 	snop  }
0x3b: {  	_ = 	snop  }
0x3c: {  	p2 =	seq.s32 s10, $0x1;
	s10 =	sld [smem:$0x3FB9]  }
0x3d: {  	_ =	shalt  }
0x3e: {  	_ =	shalt  }
0x3f: {  	_ =	shalt  }
0x40: {  	_ =	shalt  }
0x41: {  	_ =	shalt  }
0x42: {  	_ =	shalt  }
0x43: {  	_ =	shalt  }
0x44: {  	_ =	shalt  }
0x45: {  	_ =	shalt  }
0x46: {  	_ =	shalt  }
0x47: {  	_ =	shalt  }
0x48: {  	_ =	shalt  }
0x49: {  	_ =	shalt  }
0x4a: {  	_ =	shalt  }
0x4b: {  	_ =	shalt  }
0x4c: {  	_ =	shalt  }
0x4d: {  	_ =	shalt  }
0x4e: {  	_ =	shalt  }
0x4f: {  	_ =	shalt  }
0x50: {  	_ =	shalt  }
0x51: {  	_ =	shalt  }
0x52: {  	_ =	shalt  }
0x53: {  	_ =	shalt  }
0x54: {  	_ =	shalt  }
0x55: {  	_ =	shalt  }
0x56: {  	_ =	shalt  }
0x57: {  	_ =	shalt  }
0x58: {  	_ =	shalt  }
0x59: {  	_ =	shalt  }
0x5a: {  	_ =	shalt  }
0x5b: {  	_ =	shalt  }
0x5c: {  	_ =	shalt  }
0x5d: {  	_ =	shalt  }
0x5e: {  	_ =	shalt  }
0x5f: {  	_ =	shalt  }
0x60: {  	_ =	shalt  }
0x61: {  	_ =	shalt  }
0x62: {  	_ =	shalt  }
0x63: {  	_ =	shalt  }
0x64: {  	_ =	shalt  }
0x65: {  	_ =	shalt  }
0x66: {  	_ =	shalt  }
0x67: {  	_ =	shalt  }
0x68: {  	_ =	shalt  }
0x69: {  	_ =	shalt  }
0x6a: {  	_ =	shalt  }
0x6b: {  	_ =	shalt  }
0x6c: {  	_ =	shalt  }
0x6d: {  	_ =	shalt  }
0x6e: {  	_ =	shalt  }
0x6f: {  	_ =	shalt  }
0x70: {  	_ =	shalt  }
0x71: {  	_ =	shalt  }
0x72: {  	_ =	shalt  }
0x73: {  	_ =	shalt  }
0x74: {  	_ =	shalt  }
0x75: {  	_ =	shalt  }
0x76: {  	_ =	shalt  }
0x77: {  	_ =	shalt  }
0x78: {  	_ =	shalt  }
0x79: {  	_ =	shalt  }
0x7a: {  	_ =	shalt  }
0x7b: {  	_ =	shalt  }
0x7c: {  	_ =	shalt  }
0x7d: {  	_ =	shalt  }
0x7e: {  	_ =	shalt  }
0x7f: {  	_ =	shalt  }
0x80: {  	_ =	shalt  }
0x81: {  	_ =	shalt  }
0x82: {  	_ =	shalt  }
0x83: {  	_ =	shalt  }
0x84: {  	_ =	shalt  }
0x85: {  	_ =	shalt  }
0x86: {  	_ =	shalt  }
0x87: {  	_ =	shalt  }
.Lfunc_end0:
.L_simem_size_0:
called_computation.1_lowered:
.L_overlay_start_0:
0x88: {  	s2 =	sld [smem:$0x3FD9]  }
0x89: {  	s3 =	sld [smem:$0x3FFE];
	_ =	sdelay $0x1  }
0x8a: {  	s1 =	srdreg.scid  }
0x8b: {  	s0 =	sand.u32 $0x1, s1  }
0x8c: {  	s16 =	sshll.u32 s0, $0xA;
	s2 =	sadd.s32 s3, s2  }
0x8d: {  	s2 =	sadd.s32 s2, s16  }
0x8e: {  	[smem:$0x3FC5] =	sst s2  }
0x8f: {  	_ = 	snop  }
0x90: {  	(tm) =	ssettm $0x1  }
0x91: {  	s17 =	sld [smem:$0x3FFB];
	_ =	sdelay $0x3  }
0x92: {  	_ =	strace s17  }
0x93: {  	s2 =	sld [smem:$0x3FFC];
	_ =	sdelay $0x3  }
0x94: {  	_ =	strace s2  }
0x95: {  	s2 =	sld [smem:$0x3FFD];
	_ =	sdelay $0x3  }
0x96: {  	_ =	strace s2  }
0x97: {  	_ =	strace $0x8FFFFFFF  }
0x98: {  	s18 =	sld [smem:$0x3FDB];
	_ =	sdelay $0x1  }
0x99: {  	s19 =	simm.s32 $_scs_section_size  }
0x9a: {  	s4 =	simm.s32 $_size__tile_overlayer_lowered;
	s5 =	simm.s32 $_tile_overlayer_lowered  }
0x9b: {  	s22 =	simm.s32 $0x1BFF;
	s21 =	sshll.u32 s5, $0x1;
	s2 =	sadd.s32 s19, s18  }
0x9c: {  	s6 =	simm.s32 $0x0;
	s20 =	sshll.u32 s4, $0x1;
	s4 =	sadd.s32 s21, s2  }
0x9d: {  	[timem:s6], [sflag:s22] =	dma.local [hbm:s4], s20  }
0x9e: {  	_ =	swait.ge [sflag:s22], s20  }
0x9f: {  	s3 =	ssub.s32 $0x0, s20;
	[sflag:s22] =	ssyncset.done $0x0  }
0xa0: {  	[sflag:s22] =	ssyncadd.s32 s3;
	_ =	sdelay $0x1  }
0xa1: {  	s23 =	simm.s32 $0x1B8B  }
0xa2: {  	_ =	swait.ge [sflag:s23], $0x1  }
0xa3: {  	[sflag:s23] =	ssyncset.done $0x0  }
0xa4: {  	s25 =	simm.s32 $0x1B8E;
	s24 =	sld [smem:$0x3FFE];
	[sflag:s23] =	ssyncadd.s32 $0xFFFFFFFF  }
0xa5: {  	s26 =	simm.s32 $execute0_lowered;
	[smem:$0x3FD2] =	sst s25  }
0xa6: {  	s4 =	sshll.u32 s26, $0x1;
	_ =	strace $0x80000049;
	[dreg:$0x1] =	wrdreg $0xFFFFFFFF  }
0xa7: {  	s28 =	simm.s32 $_size_execute0_lowered;
	s2 =	sadd.s32 s2, s4;
	[dreg:$0x0] =	wrdreg $0x0  }
0xa8: {  	s4 =	sshll.u32 s28, $0x1;
	[dreg:$0x2] =	wrdreg s2  }
0xa9: {  	[dreg:$0x3] =	wrdreg s4  }
0xaa: {  	[dreg:$0x4] =	wrdreg $0xC0  }
0xab: {  	_ =	task [dreg:s6], $0x5FFFF  }
0xac: {  	[dreg:$0x1] =	wrdreg $0xFFFFFFFF  }
0xad: {  	[dreg:$0x0] =	wrdreg $0x60  }
0xae: {  	[dreg:$0x2] =	wrdreg s24  }
0xaf: {  	[dreg:$0x3] =	wrdreg $0x9  }
0xb0: {  	_ =	task.clear_ibuf [dreg:s6], $0x4FFFF;
	_ =	strace $0x90000049  }
0xb1: {  	s29 =	simm.s32 $0x9;
	_ =	strace $0x8000004B  }
0xb2: {  	_ =	swait.ge [sflag:s29], $0x1  }
0xb3: {  	[sflag:s29] =	ssyncadd.s32 $0xFFFFFFFF  }
0xb4: {  	_ =	strace $0x9000004B  }
0xb5: {  	_ =	sfence  }
0xb6: {  	s30 =	sld [smem:$0x0];
	_ =	sdelay $0x2  }
0xb7: {  	s31 =	sshll.u32 s1, $0xD;
	s1 =	sshrl.u32 s1, $0x2  }
0xb8: {  	s3 =	sand.u32 $0x4000, s31;
	s1 =	sadd.s32 s1, s30  }
0xb9: {  	s0 =	sor.u32 s3, s0;
	s1 =	sshll.u32 s1, $0x11  }
0xba: {  	s0 =	sor.u32 s1, s0  }
0xbb: {  	s0 =	sadd.s32 $0x8F2B, s0  }
0xbc: {  	[sflag:s0] =	ssyncadd.remote.s32 $0x1  }
0xbd: {  	_ =	sfence.sel $0xFFFF  }
0xbe: {  	[dreg:$0x0] =	wrdreg $0xFFFFFFFF;
	(pc) =	sbr.abs _section_cstart, $3  }
0xbf: {  	[dreg:$0x1] =	wrdreg $0xFFFFFFFF  }
0xc0: {  	_ =	task.clear_ibuf [dreg:s6], $0x2FFFF;
	_ =	strace $0x9FFFFFFF  }
0xc1: {  	(tm) =	ssettm $0x7FFFFFFF  }
tec
execute0_lowered:
.L_overlay_start_1:
0x0: {  	(tag) =	ssettag $0x1  }
0x1: {  	s1 =	srdreg.scid  }
0x2: {  	s0 =	stileid.u32;
	s4 =	rddreg [dreg:$0x0];
	s12 =	simm.s32 $0x10000  }
0x3: {  	s13 =	simm.s32 $0x10400;
	s14 =	simm.s32 $0x14400;
	s15 =	simm.s32 $0x16800  }
0x4: {  	s16 =	simm.s32 $0x80;
	s17 =	simm.s32 $0x400;
	s18 =	simm.s32 $0x0  }
0x5: {  	s5 =	sand.u32 $0x1, s1;
	s2 =	sshll.u32 s0, $0x1;
	s1 =	rddreg [dreg:$0x1]  }
0x6: {  	s7 =	sshrl.u32 s0, $0x2;
	s10 =	sadd.s32 $0x50000, s4;
	s6 =	sor.u32 s5, s2  }
0x7: {  	s2 =	simm.s32 $0x0;
	s9 =	sshll.u32 s7, $0x11;
	s5 =	ssub.s32 $0x2, s5  }
0x8: {  	s7 =	smul.u32 $0x12000, s7;
	s3 =	sshll.u32 s6, $0x7;
	[smem:$0x7FF] =	sst s2  }
0x9: {  	s11 =	sshrl.u32 s5, $0x1;
	s29 =	sshll.u32 s6, $0xC;
	s8 =	sand.u32 $0x380, s3  }
0xa: {  	_ =	strace $0x8000004A;
	s3 =	sadd.s32 $0x20000, s4;
	s9 =	sor.u32 s9, s8  }
0xb: {  	s11 =	ssub.s32 s5, s11;
	s30 =	sor.u32 s7, s8;
	s9 =	sshrl.u32 s9, $0x3  }
0xc: {  	s7 =	sshrl.u32 s30, $0x3;
	s8 =	sadd.s32 $0x48000, s30;
	s9 =	sadd.s32 s9, s4  }
0xd: {  	s4 =	sadd.s32 s4, s29;
	s6 =	sadd.s32 s10, s7;
	s31 =	sshrl.u32 s8, $0x3  }
0xe: {  	s5 =	sadd.s32 $0x30000, s4;
	s7 =	sadd.s32 s10, s31;
	s8 =	sadd.s32 $0x62000, s9  }
0xf: {  	v0 =	vimm.f32 $0.0e+00;
	v1 =	vlaneseq.u32;
	v2 =	vimm.f32 $1.000000000e+00;
	s9 =	smax.u32 s11, $0x1;
	s10 =	simm.s32 $0x1;
	s11 =	simm.s32 $0x8000  }
.LBB2_1:
0x10: {  	[tilespmem:s2], [sflag:$0x1] =	stream.linear.gather [hbm4b:s4+s2], $0x8000, $0x38;
	[tilespmem:$0x18C00] =	vst v63  }
0x11: {  	_ =	swait.ge [sflag:s10], $0x8000  }
0x12: {  	[sflag:s10] =	ssyncset.done $0x0  }
0x13: {  	[sflag:s10] =	ssyncadd.s32 $0xFFFF8000  }
0x14: {  	[tilespmem:s11], [sflag:$0x1] =	stream.linear.gather [hbm4b:s5+s2], $0x8000, $0x38;
	[tilespmem:$0x18C00] =	vst v63  }
0x15: {  	_ =	swait.ge [sflag:s10], $0x8000  }
0x16: {  	[sflag:s10] =	ssyncset.done $0x0  }
0x17: {  	[sflag:s10] =	ssyncadd.s32 $0xFFFF8000  }
0x18: {  	[tilespmem:s12], [sflag:$0x1] =	stream.linear.gather [hbm4b:s3+s2], $0x400, $0x38;
	[tilespmem:$0x18C00] =	vst v63  }
0x19: {  	_ =	swait.ge [sflag:s10], $0x400  }
0x1a: {  	[sflag:s10] =	ssyncset.done $0x0  }
0x1b: {  	s20 =	simm.s32 $0x14440;
	[sflag:s10] =	ssyncadd.s32 $0xFFFFFC00  }
0x1c: {  	s19 =	simm.s32 $0x16840;
	[tilespmem:s20+$0xFFFFFFC0] =	vst v0  }
0x1d: {  	[tilespmem:s19+$0xFFFFFFC0] =	vst v0  }
0x1e: {  	[tilespmem:s20+$0xFFFFFFD0] =	vst v0  }
0x1f: {  	[tilespmem:s19+$0xFFFFFFD0] =	vst v0  }
0x20: {  	[tilespmem:s20+$0xFFFFFFE0] =	vst v0  }
0x21: {  	[tilespmem:s19+$0xFFFFFFE0] =	vst v0  }
0x22: {  	[tilespmem:s20+$0xFFFFFFF0] =	vst v0  }
0x23: {  	[tilespmem:s19+$0xFFFFFFF0] =	vst v0  }
0x24: {  	[tilespmem:s20+$0x0] =	vst v0  }
0x25: {  	[tilespmem:s19+$0x0] =	vst v0  }
0x26: {  	[tilespmem:s20+$0x10] =	vst v0  }
0x27: {  	[tilespmem:s19+$0x10] =	vst v0  }
0x28: {  	[tilespmem:s20+$0x20] =	vst v0  }
0x29: {  	[tilespmem:s19+$0x20] =	vst v0  }
0x2a: {  	[tilespmem:s20+$0x30] =	vst v0  }
0x2b: {  	s22 =	simm.s32 $0x144C0;
	s21 =	simm.s32 $0x10440;
	s20 =	simm.s32 $0x0;
	[tilespmem:s19+$0x30] =	vst v0  }
.LBB2_2:
0x2c: {  	[tilespmem:s22+$0xFFFFFFC0] =	vst v0;
	s19 =	sadd.s32 $0x80, s19  }
0x2d: {  	[tilespmem:s19+$0xFFFFFFC0] =	vst v0  }
0x2e: {  	[tilespmem:s22+$0xFFFFFFD0] =	vst v0  }
0x2f: {  	[tilespmem:s19+$0xFFFFFFD0] =	vst v0  }
0x30: {  	[tilespmem:s22+$0xFFFFFFE0] =	vst v0  }
0x31: {  	[tilespmem:s19+$0xFFFFFFE0] =	vst v0  }
0x32: {  	[tilespmem:s22+$0xFFFFFFF0] =	vst v0  }
0x33: {  	[tilespmem:s19+$0xFFFFFFF0] =	vst v0  }
0x34: {  	[tilespmem:s22+$0x0] =	vst v0  }
0x35: {  	s20 =	sadd.s32 $0x8, s20;
	[tilespmem:s19+$0x0] =	vst v0  }
0x36: {  	p0 =	slt.u32 s20, $0x238;
	[tilespmem:s22+$0x10] =	vst v0  }
.Ltmp0:
0x37: {  	[tilespmem:s19+$0x10] =	vst v0;
	(pc) =	sbr.rel @p0 .LBB2_2-.Ltmp0, $4  }
0x38: {  	[tilespmem:s22+$0x20] =	vst v0  }
0x39: {  	[tilespmem:s19+$0x20] =	vst v0  }
0x3a: {  	[tilespmem:s22+$0x30] =	vst v0  }
0x3b: {  	s22 =	sadd.s32 $0x80, s22;
	[tilespmem:s19+$0x30] =	vst v0  }
0x3c: {  	[tilespmem:s21+$0xFFFFFFC0] =	vst v0  }
0x3d: {  	[tilespmem:s21+$0x30] =	vst v0  }
0x3e: {  	[tilespmem:s21+$0x20] =	vst v0  }
0x3f: {  	[tilespmem:s21+$0x10] =	vst v0  }
0x40: {  	[tilespmem:s21+$0x0] =	vst v0  }
0x41: {  	[tilespmem:s21+$0xFFFFFFF0] =	vst v0  }
0x42: {  	s22 =	simm.s32 $0x0;
	[tilespmem:s21+$0xFFFFFFE0] =	vst v0;
	s19 =	simm.s32 $0x40;
	s20 =	simm.s32 $0x8040  }
.LBB2_4:
0x43: {  	s22 =	sadd.s32 $0x8, s22;
	[tilespmem:s21+$0xFFFFFFD0] =	vst v0;
	s21 =	sadd.s32 $0x80, s21  }
0x44: {  	[tilespmem:s21+$0xFFFFFFC0] =	vst v0;
	p0 =	slt.u32 s22, $0x3F8  }
0x45: {  	[tilespmem:s21+$0x30] =	vst v0  }
.Ltmp1:
0x46: {  	[tilespmem:s21+$0x20] =	vst v0;
	(pc) =	sbr.rel @p0 .LBB2_4-.Ltmp1, $4  }
0x47: {  	[tilespmem:s21+$0x10] =	vst v0  }
0x48: {  	[tilespmem:s21+$0x0] =	vst v0  }
0x49: {  	[tilespmem:s21+$0xFFFFFFF0] =	vst v0  }
0x4a: {  	[tilespmem:s21+$0xFFFFFFE0] =	vst v0  }
0x4b: {  	[tilespmem:s21+$0xFFFFFFD0] =	vst v0;
	s21 =	simm.s32 $0xFFFFFFF8  }
.LBB2_6:
0x4c: {  	v3 =	vld [tilespmem:s19+$0xFFFFFFC0];
	_ =	sdelay $0x4  }
0x4d: {  	v3 =	vmul.f32 $1.024000000e+03, v3;
	_ =	sdelay $0x1  }
0x4e: {  	v4 =	vtrunc.f32 v3  }
0x4f: {  	v4 =	vcvt.f32.s32 v4;
	_ =	sdelay $0x1  }
0x50: {  	vm0 =	vgt.s32 v4, $0x0  }
0x51: {  	v4 =	vnsel vm0, $0x0, v4  }
0x52: {  	v4 =	vmin.u32 v4, $0x3FF  }
0x53: {  	v5 =	vcvt.s32.f32 v4;
	v6 =	vshll.u32 v4, $0x4  }
0x54: {  	v7 =	vld [tilespmem:s20+$0xFFFFFFC0];
	v6 =	vor.u32 v1, v6  }
0x55: {  	v3 =	vsub.f32 v3, v5;
	_ =	sdelay $0x1  }
0x56: {  	v3 =	vmul.f32 $6.400000000e+01, v3;
	_ =	sdelay $0x1  }
0x57: {  	[tilespmem:v6+s13+$0x0] =	vst.idx.add.f32.msk $0xffff, v7;
	v3 =	vtrunc.f32 v3  }
0x58: {  	v4 =	vld.idx.msk [tilespmem:v4+s12+$0x0], $0xffff;
	v3 =	vcvt.f32.s32 v3;
	_ =	sdelay $0x1  }
0x59: {  	vm5 =	vgt.s32 v3, $0x0  }
0x5a: {  	v3 =	vnsel vm5, $0x0, v3  }
0x5b: {  	v3 =	vmin.u32 v3, $0x3F  }
0x5c: {  	v35 =	vshll.u32 v4, $0xA;
	v3 =	vshll.u32 v3, $0x4  }
0x5d: {  	v3 =	vor.u32 v35, v3  }
0x5e: {  	vm6 =	vgt.s32 v4, $0xFFFFFFFF;
	v3 =	vor.u32 v1, v3  }
0x5f: {  	v3 =	vsel vm6, v3, v1;
	_ =	sdelay $0x4  }
0x60: {  	[tilespmem:v3+s14+$0x0] =	vst.idx.add.f32.msk vm6, v2  }
0x61: {  	[tilespmem:v3+s15+$0x0] =	vst.idx.add.f32.msk vm6, v7  }
0x62: {  	v3 =	vld [tilespmem:s19+$0xFFFFFFD0];
	_ =	sdelay $0x4  }
0x63: {  	v3 =	vmul.f32 $1.024000000e+03, v3;
	_ =	sdelay $0x1  }
0x64: {  	v36 =	vtrunc.f32 v3  }
0x65: {  	v4 =	vcvt.f32.s32 v36;
	_ =	sdelay $0x1  }
0x66: {  	vm7 =	vgt.s32 v4, $0x0  }
0x67: {  	v4 =	vnsel vm7, $0x0, v4  }
0x68: {  	v4 =	vmin.u32 v4, $0x3FF  }
0x69: {  	v37 =	vcvt.s32.f32 v4;
	v38 =	vshll.u32 v4, $0x4  }
0x6a: {  	v7 =	vld [tilespmem:s20+$0xFFFFFFD0];
	v6 =	vor.u32 v1, v38  }
0x6b: {  	v3 =	vsub.f32 v3, v37;
	_ =	sdelay $0x1  }
0x6c: {  	v3 =	vmul.f32 $6.400000000e+01, v3;
	_ =	sdelay $0x1  }
0x6d: {  	[tilespmem:v6+s13+$0x0] =	vst.idx.add.f32.msk $0xffff, v7;
	v3 =	vtrunc.f32 v3  }
0x6e: {  	v4 =	vld.idx.msk [tilespmem:v4+s12+$0x0], $0xffff;
	v3 =	vcvt.f32.s32 v3;
	_ =	sdelay $0x1  }
0x6f: {  	vm8 =	vgt.s32 v3, $0x0  }
0x70: {  	v3 =	vnsel vm8, $0x0, v3  }
0x71: {  	v3 =	vmin.u32 v3, $0x3F  }
0x72: {  	v39 =	vshll.u32 v4, $0xA;
	v3 =	vshll.u32 v3, $0x4  }
0x73: {  	v3 =	vor.u32 v39, v3  }
0x74: {  	vm9 =	vgt.s32 v4, $0xFFFFFFFF;
	v3 =	vor.u32 v1, v3  }
0x75: {  	v3 =	vsel vm9, v3, v1;
	_ =	sdelay $0x4  }
0x76: {  	[tilespmem:v3+s14+$0x0] =	vst.idx.add.f32.msk vm9, v2  }
0x77: {  	[tilespmem:v3+s15+$0x0] =	vst.idx.add.f32.msk vm9, v7  }
0x78: {  	v3 =	vld [tilespmem:s19+$0xFFFFFFE0];
	_ =	sdelay $0x4  }
0x79: {  	v3 =	vmul.f32 $1.024000000e+03, v3;
	_ =	sdelay $0x1  }
0x7a: {  	v40 =	vtrunc.f32 v3  }
0x7b: {  	v4 =	vcvt.f32.s32 v40;
	_ =	sdelay $0x1  }
0x7c: {  	vm10 =	vgt.s32 v4, $0x0  }
0x7d: {  	v4 =	vnsel vm10, $0x0, v4  }
0x7e: {  	v4 =	vmin.u32 v4, $0x3FF  }
0x7f: {  	v41 =	vcvt.s32.f32 v4;
	v42 =	vshll.u32 v4, $0x4  }
0x80: {  	v7 =	vld [tilespmem:s20+$0xFFFFFFE0];
	v6 =	vor.u32 v1, v42  }
0x81: {  	v3 =	vsub.f32 v3, v41;
	_ =	sdelay $0x1  }
0x82: {  	v3 =	vmul.f32 $6.400000000e+01, v3;
	_ =	sdelay $0x1  }
0x83: {  	[tilespmem:v6+s13+$0x0] =	vst.idx.add.f32.msk $0xffff, v7;
	v3 =	vtrunc.f32 v3  }
0x84: {  	v4 =	vld.idx.msk [tilespmem:v4+s12+$0x0], $0xffff;
	v3 =	vcvt.f32.s32 v3;
	_ =	sdelay $0x1  }
0x85: {  	vm11 =	vgt.s32 v3, $0x0  }
0x86: {  	v3 =	vnsel vm11, $0x0, v3  }
0x87: {  	v3 =	vmin.u32 v3, $0x3F  }
0x88: {  	v43 =	vshll.u32 v4, $0xA;
	v3 =	vshll.u32 v3, $0x4  }
0x89: {  	v3 =	vor.u32 v43, v3  }
0x8a: {  	vm12 =	vgt.s32 v4, $0xFFFFFFFF;
	v3 =	vor.u32 v1, v3  }
0x8b: {  	v3 =	vsel vm12, v3, v1;
	_ =	sdelay $0x4  }
0x8c: {  	[tilespmem:v3+s14+$0x0] =	vst.idx.add.f32.msk vm12, v2  }
0x8d: {  	[tilespmem:v3+s15+$0x0] =	vst.idx.add.f32.msk vm12, v7  }
0x8e: {  	v3 =	vld [tilespmem:s19+$0xFFFFFFF0];
	_ =	sdelay $0x4  }
0x8f: {  	v3 =	vmul.f32 $1.024000000e+03, v3;
	_ =	sdelay $0x1  }
0x90: {  	v44 =	vtrunc.f32 v3  }
0x91: {  	v4 =	vcvt.f32.s32 v44;
	_ =	sdelay $0x1  }
0x92: {  	vm13 =	vgt.s32 v4, $0x0  }
0x93: {  	v4 =	vnsel vm13, $0x0, v4  }
0x94: {  	v4 =	vmin.u32 v4, $0x3FF  }
0x95: {  	v45 =	vcvt.s32.f32 v4;
	v46 =	vshll.u32 v4, $0x4  }
0x96: {  	v7 =	vld [tilespmem:s20+$0xFFFFFFF0];
	v6 =	vor.u32 v1, v46  }
0x97: {  	v3 =	vsub.f32 v3, v45;
	_ =	sdelay $0x1  }
0x98: {  	v3 =	vmul.f32 $6.400000000e+01, v3;
	_ =	sdelay $0x1  }
0x99: {  	[tilespmem:v6+s13+$0x0] =	vst.idx.add.f32.msk $0xffff, v7;
	v3 =	vtrunc.f32 v3  }
0x9a: {  	v4 =	vld.idx.msk [tilespmem:v4+s12+$0x0], $0xffff;
	v3 =	vcvt.f32.s32 v3;
	_ =	sdelay $0x1  }
0x9b: {  	vm14 =	vgt.s32 v3, $0x0  }
0x9c: {  	v3 =	vnsel vm14, $0x0, v3  }
0x9d: {  	v3 =	vmin.u32 v3, $0x3F  }
0x9e: {  	v47 =	vshll.u32 v4, $0xA;
	v3 =	vshll.u32 v3, $0x4  }
0x9f: {  	v3 =	vor.u32 v47, v3  }
0xa0: {  	vm15 =	vgt.s32 v4, $0xFFFFFFFF;
	v3 =	vor.u32 v1, v3  }
0xa1: {  	v3 =	vsel vm15, v3, v1;
	_ =	sdelay $0x4  }
0xa2: {  	[tilespmem:v3+s14+$0x0] =	vst.idx.add.f32.msk vm15, v2  }
0xa3: {  	[tilespmem:v3+s15+$0x0] =	vst.idx.add.f32.msk vm15, v7  }
0xa4: {  	v3 =	vld [tilespmem:s19+$0x0];
	_ =	sdelay $0x4  }
0xa5: {  	v3 =	vmul.f32 $1.024000000e+03, v3;
	_ =	sdelay $0x1  }
0xa6: {  	v48 =	vtrunc.f32 v3  }
0xa7: {  	v4 =	vcvt.f32.s32 v48;
	_ =	sdelay $0x1  }
0xa8: {  	vm4 =	vgt.s32 v4, $0x0  }
0xa9: {  	v4 =	vnsel vm4, $0x0, v4  }
0xaa: {  	v4 =	vmin.u32 v4, $0x3FF  }
0xab: {  	v49 =	vcvt.s32.f32 v4;
	v50 =	vshll.u32 v4, $0x4  }
0xac: {  	v7 =	vld [tilespmem:s20+$0x0];
	v6 =	vor.u32 v1, v50  }
0xad: {  	v3 =	vsub.f32 v3, v49;
	_ =	sdelay $0x1  }
0xae: {  	v3 =	vmul.f32 $6.400000000e+01, v3;
	_ =	sdelay $0x1  }
0xaf: {  	[tilespmem:v6+s13+$0x0] =	vst.idx.add.f32.msk $0xffff, v7;
	v3 =	vtrunc.f32 v3  }
0xb0: {  	v4 =	vld.idx.msk [tilespmem:v4+s12+$0x0], $0xffff;
	v3 =	vcvt.f32.s32 v3;
	_ =	sdelay $0x1  }
0xb1: {  	vm5 =	vgt.s32 v3, $0x0  }
0xb2: {  	v3 =	vnsel vm5, $0x0, v3  }
0xb3: {  	v3 =	vmin.u32 v3, $0x3F  }
0xb4: {  	v51 =	vshll.u32 v4, $0xA;
	v3 =	vshll.u32 v3, $0x4  }
0xb5: {  	v3 =	vor.u32 v51, v3  }
0xb6: {  	vm6 =	vgt.s32 v4, $0xFFFFFFFF;
	v3 =	vor.u32 v1, v3  }
0xb7: {  	v3 =	vsel vm6, v3, v1;
	_ =	sdelay $0x4  }
0xb8: {  	[tilespmem:v3+s14+$0x0] =	vst.idx.add.f32.msk vm6, v2  }
0xb9: {  	[tilespmem:v3+s15+$0x0] =	vst.idx.add.f32.msk vm6, v7  }
0xba: {  	v3 =	vld [tilespmem:s19+$0x10];
	_ =	sdelay $0x4  }
0xbb: {  	v3 =	vmul.f32 $1.024000000e+03, v3;
	_ =	sdelay $0x1  }
0xbc: {  	v52 =	vtrunc.f32 v3  }
0xbd: {  	v4 =	vcvt.f32.s32 v52;
	_ =	sdelay $0x1  }
0xbe: {  	vm7 =	vgt.s32 v4, $0x0  }
0xbf: {  	v4 =	vnsel vm7, $0x0, v4  }
0xc0: {  	v4 =	vmin.u32 v4, $0x3FF  }
0xc1: {  	v53 =	vcvt.s32.f32 v4;
	v54 =	vshll.u32 v4, $0x4  }
0xc2: {  	v7 =	vld [tilespmem:s20+$0x10];
	v6 =	vor.u32 v1, v54  }
0xc3: {  	v3 =	vsub.f32 v3, v53;
	_ =	sdelay $0x1  }
0xc4: {  	v3 =	vmul.f32 $6.400000000e+01, v3;
	_ =	sdelay $0x1  }
0xc5: {  	[tilespmem:v6+s13+$0x0] =	vst.idx.add.f32.msk $0xffff, v7;
	v3 =	vtrunc.f32 v3  }
0xc6: {  	v4 =	vld.idx.msk [tilespmem:v4+s12+$0x0], $0xffff;
	v3 =	vcvt.f32.s32 v3;
	_ =	sdelay $0x1  }
0xc7: {  	vm8 =	vgt.s32 v3, $0x0  }
0xc8: {  	v3 =	vnsel vm8, $0x0, v3  }
0xc9: {  	v3 =	vmin.u32 v3, $0x3F  }
0xca: {  	v55 =	vshll.u32 v4, $0xA;
	v3 =	vshll.u32 v3, $0x4  }
0xcb: {  	v3 =	vor.u32 v55, v3  }
0xcc: {  	vm9 =	vgt.s32 v4, $0xFFFFFFFF;
	v3 =	vor.u32 v1, v3  }
0xcd: {  	v3 =	vsel vm9, v3, v1;
	_ =	sdelay $0x4  }
0xce: {  	[tilespmem:v3+s14+$0x0] =	vst.idx.add.f32.msk vm9, v2  }
0xcf: {  	[tilespmem:v3+s15+$0x0] =	vst.idx.add.f32.msk vm9, v7  }
0xd0: {  	v3 =	vld [tilespmem:s19+$0x20];
	_ =	sdelay $0x4  }
0xd1: {  	v3 =	vmul.f32 $1.024000000e+03, v3;
	_ =	sdelay $0x1  }
0xd2: {  	v56 =	vtrunc.f32 v3  }
0xd3: {  	v4 =	vcvt.f32.s32 v56;
	_ =	sdelay $0x1  }
0xd4: {  	vm10 =	vgt.s32 v4, $0x0  }
0xd5: {  	v4 =	vnsel vm10, $0x0, v4  }
0xd6: {  	v4 =	vmin.u32 v4, $0x3FF  }
0xd7: {  	v57 =	vcvt.s32.f32 v4;
	v58 =	vshll.u32 v4, $0x4  }
0xd8: {  	v7 =	vld [tilespmem:s20+$0x20];
	v6 =	vor.u32 v1, v58  }
0xd9: {  	v3 =	vsub.f32 v3, v57;
	_ =	sdelay $0x1  }
0xda: {  	v3 =	vmul.f32 $6.400000000e+01, v3;
	_ =	sdelay $0x1  }
0xdb: {  	[tilespmem:v6+s13+$0x0] =	vst.idx.add.f32.msk $0xffff, v7;
	v3 =	vtrunc.f32 v3  }
0xdc: {  	v4 =	vld.idx.msk [tilespmem:v4+s12+$0x0], $0xffff;
	v3 =	vcvt.f32.s32 v3;
	_ =	sdelay $0x1  }
0xdd: {  	vm11 =	vgt.s32 v3, $0x0  }
0xde: {  	v3 =	vnsel vm11, $0x0, v3  }
0xdf: {  	v3 =	vmin.u32 v3, $0x3F  }
0xe0: {  	v59 =	vshll.u32 v4, $0xA;
	v3 =	vshll.u32 v3, $0x4  }
0xe1: {  	v3 =	vor.u32 v59, v3  }
0xe2: {  	vm12 =	vgt.s32 v4, $0xFFFFFFFF;
	v3 =	vor.u32 v1, v3  }
0xe3: {  	v3 =	vsel vm12, v3, v1;
	_ =	sdelay $0x4  }
0xe4: {  	[tilespmem:v3+s14+$0x0] =	vst.idx.add.f32.msk vm12, v2  }
0xe5: {  	[tilespmem:v3+s15+$0x0] =	vst.idx.add.f32.msk vm12, v7  }
0xe6: {  	v3 =	vld [tilespmem:s19+$0x30];
	_ =	sdelay $0x4  }
0xe7: {  	v3 =	vmul.f32 $1.024000000e+03, v3;
	_ =	sdelay $0x1  }
0xe8: {  	v60 =	vtrunc.f32 v3  }
0xe9: {  	v4 =	vcvt.f32.s32 v60;
	_ =	sdelay $0x1  }
0xea: {  	vm13 =	vgt.s32 v4, $0x0  }
0xeb: {  	v4 =	vnsel vm13, $0x0, v4  }
0xec: {  	v4 =	vmin.u32 v4, $0x3FF  }
0xed: {  	v61 =	vcvt.s32.f32 v4;
	v62 =	vshll.u32 v4, $0x4  }
0xee: {  	v7 =	vld [tilespmem:s20+$0x30];
	v6 =	vor.u32 v1, v62  }
0xef: {  	v3 =	vsub.f32 v3, v61;
	_ =	sdelay $0x1  }
0xf0: {  	v3 =	vmul.f32 $6.400000000e+01, v3;
	_ =	sdelay $0x1  }
0xf1: {  	[tilespmem:v6+s13+$0x0] =	vst.idx.add.f32.msk $0xffff, v7;
	v3 =	vtrunc.f32 v3  }
0xf2: {  	v4 =	vld.idx.msk [tilespmem:v4+s12+$0x0], $0xffff;
	v3 =	vcvt.f32.s32 v3;
	_ =	sdelay $0x1  }
0xf3: {  	vm14 =	vgt.s32 v3, $0x0  }
0xf4: {  	v3 =	vnsel vm14, $0x0, v3  }
0xf5: {  	v3 =	vmin.u32 v3, $0x3F  }
0xf6: {  	v63 =	vshll.u32 v4, $0xA;
	v3 =	vshll.u32 v3, $0x4  }
0xf7: {  	v3 =	vor.u32 v63, v3  }
0xf8: {  	vm15 =	vgt.s32 v4, $0xFFFFFFFF;
	v3 =	vor.u32 v1, v3  }
0xf9: {  	s21 =	sadd.s32 $0x8, s21;
	v3 =	vsel vm15, v3, v1  }
0xfa: {  	p0 =	slt.u32 s21, $0x7F8  }
.Ltmp2:
0xfb: {  	_ = 	snop;
	(pc) =	sbr.rel @p0 .LBB2_6-.Ltmp2, $3  }
0xfc: {  	_ =	sdelay $0x1  }
0xfd: {  	[tilespmem:v3+s14+$0x0] =	vst.idx.add.f32.msk vm15, v2  }
0xfe: {  	s19 =	sadd.s32 $0x80, s19;
	s20 =	sadd.s32 $0x80, s20;
	[tilespmem:v3+s15+$0x0] =	vst.idx.add.f32.msk vm15, v7  }
0xff: {  	[hbm4b:s6+s16] =	stream.strided.scatter [tilespmem:s14], [sflag:$0x1], $0x2400, s17, s16, $0x38;
	[tilespmem:$0x18C00] =	vst v63  }
0x100: {  	_ =	swait.ge [sflag:s10], $0x2400  }
0x101: {  	[sflag:s10] =	ssyncset.done $0x0  }
0x102: {  	[sflag:s10] =	ssyncadd.s32 $0xFFFFDC00  }
0x103: {  	[hbm4b:s7+s16] =	stream.strided.scatter [tilespmem:s15], [sflag:$0x1], $0x2400, s17, s16, $0x38;
	[tilespmem:$0x18C00] =	vst v63  }
0x104: {  	s18 =	sadd.s32 $0x1, s18;
	_ =	swait.ge [sflag:s10], $0x2400  }
0x105: {  	p0 =	sne.s32 s18, s9;
	[sflag:s10] =	ssyncset.done $0x0  }
.Ltmp3:
0x106: {  	[sflag:s10] =	ssyncadd.s32 $0xFFFFDC00;
	(pc) =	sbr.rel @p0 .LBB2_1-.Ltmp3, $4  }
0x107: {  	[hbm4b:s8+s16] =	stream.strided.scatter [tilespmem:s13], [sflag:$0x1], $0x4000, s17, s16, $0x38;
	[tilespmem:$0x18C00] =	vst v63  }
0x108: {  	_ =	swait.ge [sflag:s10], $0x4000  }
0x109: {  	[sflag:s10] =	ssyncset.done $0x0  }
0x10a: {  	[sflag:s10] =	ssyncadd.s32 $0xFFFFC000  }
0x10b: {  	_ =	sfence.sel $0x180000  }
0x10c: {  	[bflag:$0x0] =	sbarrier.arrive $0xFFFF  }
0x10d: {  	p0 =	sne.s32 s0, $0x0;
	_ =	strace $0x9000004A  }
0x10e: {  	s0 =	sadd.s32 @!p0 $0x100000, s1;
	[bflag:$0x2] =	sbarrier.arrive $0xFFFF  }
0x10f: {  	[sflag:s0] =	ssyncadd.tile.s32 @!p0 $0x1;
	_ =	shalt  }
.Lfunc_end2:
_tile_overlayer_lowered:
.L_overlay_start_2:
0x110: {  	(tag) =	ssettag $0x2  }
0x111: {  	s0 =	rddreg [dreg:$0x0];
	s2 =	stileid.u32  }
0x112: {  	s1 =	rddreg [dreg:$0x1];
	p0 =	sne.s32 s2, $0x0  }
0x113: {  	s3 =	rddreg [dreg:$0x2];
	[bflag:$0x3] =	sbarrier.arrive $0xFFFF;
	s2 =	simm.s32 @!p0 $0x1C01  }
0x114: {  	[timem:s3], [sflag:s2] =	dma.local @!p0 [hbm:s0], s1  }
0x115: {  	s0 =	simm.s32 @!p0 $0x1  }
0x116: {  	_ =	swait.ge @!p0 [sflag:s0], s1  }
0x117: {  	s1 =	ssub.s32 @!p0 $0x0, s1;
	[sflag:s0] =	ssyncset.done @!p0 $0x0  }
0x118: {  	[sflag:s0] =	ssyncadd.s32 @!p0 s1  }
0x119: {  	[bflag:$0x3] =	sbarrier.arrive $0xFFFF  }
0x11a: {  	_ =	shalt  }

</sc_bundles>
